<compile_context>
chip_gen: v7x
topology: tpu7x:2x2x1
jax: 0.10.2.dev20260603
libtpu: 0.0.44.dev20260713+nightly
codegen_flags: <defaults>
</compile_context>

<pallas_src>
import functools

import jax
import jax.numpy as jnp
from jax import lax
from jax.experimental import pallas as pl
from jax.experimental.pallas import tpu as pltpu
from jax.experimental.pallas import tpu_sc as plsc

LANES = 16
NSEM = 8


@functools.lru_cache(maxsize=None)
def _make(batch: int, num_nodes: int, d_emb: int):
    info = plsc.get_sparse_core_info()
    nc, ns = info.num_cores, info.num_subcores
    nw = nc * ns
    b_per_w = batch // nw
    rows_per_sem = b_per_w // NSEM
    mesh = plsc.VectorSubcoreMesh(core_axis_name="c", subcore_axis_name="s")

    @functools.partial(
        pl.kernel,
        mesh=mesh,
        out_type=(
            jax.ShapeDtypeStruct((batch, d_emb), jnp.float32),
            jax.ShapeDtypeStruct((batch, d_emb), jnp.float32),
        ),
        scratch_types=[
            pltpu.VMEM((b_per_w + LANES,), jnp.int32),
            pltpu.VMEM((b_per_w, d_emb), jnp.float32),
        ] + [pltpu.SemaphoreType.DMA] * NSEM,
        compiler_params=pltpu.CompilerParams(use_tc_tiling_on_sc=True),
    )
    def k(ids_hbm, tgt_hbm, ctx_hbm, out_t, out_c, idx_v, rows_v, *sems):
        wid = lax.axis_index("s") * nc + lax.axis_index("c")
        base = wid * b_per_w
        pltpu.sync_copy(ids_hbm.at[pl.ds(base, b_per_w)],
                        idx_v.at[pl.ds(0, b_per_w)])
        out_slice = pl.ds(base, b_per_w)
        for tbl, out_hbm in ((tgt_hbm, out_t), (ctx_hbm, out_c)):

            def body(i, _):
                for q in range(NSEM):
                    row = idx_v[pl.ds(i * NSEM + q, LANES)][0]
                    pltpu.async_copy(tbl.at[row], rows_v.at[i * NSEM + q],
                                     sems[q])
                return 0

            lax.fori_loop(0, rows_per_sem, body, 0)
            for q in range(NSEM):
                pltpu.make_async_copy(
                    out_hbm.at[pl.ds(base, rows_per_sem)],
                    rows_v.at[pl.ds(0, rows_per_sem)], sems[q]).wait()
            pltpu.sync_copy(rows_v, out_hbm.at[out_slice])

    return k


def kernel(ids, E_target, E_context):
    ids = ids.astype(jnp.int32)
    n, d = E_target.shape
    k = _make(ids.shape[0], n, d)
    return k(ids, E_target, E_context)

# --- scband reference (transcript-rebuilt; emitter-appended) ---
"""Pipeline reference for scband-embedding-store-60455959658591 (READ-ONLY COPY).

The authoritative reference and input builder live on the scoring server;
editing this copy changes nothing except your own understanding.
"""

import jax, jax.numpy as jnp
import numpy as np

NUM_NODES = 1000000
D_EMB = 64
BATCH = 16384

def setup_inputs(seed: int = 0) -> dict:
    key = jax.random.key(seed)
    k_ids, k_t, k_c = jax.random.split(key, 3)
    ids = jax.random.randint(k_ids, (BATCH,), 0, NUM_NODES, dtype=jnp.int64 if jax.config.jax_enable_x64 else jnp.int32)
    E_target = jax.random.normal(k_t, (NUM_NODES, D_EMB), dtype=jnp.float32) * 0.01
    E_context = jax.random.normal(k_c, (NUM_NODES, D_EMB), dtype=jnp.float32) * 0.01
    return {"ids": ids, "E_target": E_target, "E_context": E_context}

def reference(ids, E_target, E_context):
    # EmbeddingStore.target / EmbeddingStore.context: [K] -> [K, d_emb]
    tgt = jnp.take(E_target, ids, axis=0)
    ctx = jnp.take(E_context, ids, axis=0)
    return (tgt, ctx)

if __name__ == "__main__":
    import jax
    _d = setup_inputs()
    print(jax.jit(kernel)(*tuple(_d.values())))

</pallas_src>

<mosaic_0001>
#map = affine_map<(d0, d1) -> (0)>
#map1 = affine_map<(d0, d1) -> (0, 0)>
module attributes {stable_mosaic.version = 14 : i64} {
  func.func @k(%arg0: i32, %arg1: i32, %arg2: memref<16384xi32, #tpu.memory_space<hbm>>, %arg3: memref<1000000x64xf32, #tpu.memory_space<hbm>>, %arg4: memref<1000000x64xf32, #tpu.memory_space<hbm>>, %arg5: memref<16384x64xf32, #tpu.memory_space<hbm>>, %arg6: memref<16384x64xf32, #tpu.memory_space<hbm>>, %arg7: memref<528xi32, #tpu.memory_space<vmem>>, %arg8: memref<512x64xf32, #tpu.memory_space<vmem>>, %arg9: memref<!tpu.dma_semaphore, #tpu.memory_space<semaphore_mem>>, %arg10: memref<!tpu.dma_semaphore, #tpu.memory_space<semaphore_mem>>, %arg11: memref<!tpu.dma_semaphore, #tpu.memory_space<semaphore_mem>>, %arg12: memref<!tpu.dma_semaphore, #tpu.memory_space<semaphore_mem>>, %arg13: memref<!tpu.dma_semaphore, #tpu.memory_space<semaphore_mem>>, %arg14: memref<!tpu.dma_semaphore, #tpu.memory_space<semaphore_mem>>, %arg15: memref<!tpu.dma_semaphore, #tpu.memory_space<semaphore_mem>>, %arg16: memref<!tpu.dma_semaphore, #tpu.memory_space<semaphore_mem>>) attributes {dimension_semantics = [#tpu.dimension_semantics<core_parallel>, #tpu.dimension_semantics<subcore_parallel>], iteration_bounds = array<i64: 2, 16>, scalar_prefetch = 0 : i64, scratch_operands = 10 : i64, tpu.core_type = #tpu.core_type<sc_vector_subcore>, window_params = [{transform_indices = #map}, {transform_indices = #map1}, {transform_indices = #map1}, {transform_indices = #map1}, {transform_indices = #map1}]} {
    %mul3A = arith.constant 2 : i32
    %mul3A_0 = arith.muli %arg1, %mul3A : i32
    %add3A = arith.addi %mul3A_0, %arg0 : i32
    %mul3A_1 = arith.constant 512 : i32
    %mul3A_2 = arith.muli %add3A, %mul3A_1 : i32
    "tpu.region"() ({
      %run_scoped3A = tpu.sem_alloc : memref<!tpu.dma_semaphore, #tpu.memory_space<semaphore_mem>>
      %dma_start3A = arith.constant 0 : i32
      %dma_start3A_175 = tpu.memref_slice %arg7[%dma_start3A] : memref<528xi32, #tpu.memory_space<vmem>> -> memref<512xi32, #tpu.memory_space<vmem>>
      %dma_start3A_176 = tpu.memref_slice %arg2[%mul3A_2] : memref<16384xi32, #tpu.memory_space<hbm>> -> memref<512xi32, #tpu.memory_space<hbm>>
      %dma_start3A_177 = arith.constant 0 : i32
      %dma_start3A_178 = tpu.memref_slice %arg7[%dma_start3A_177] : memref<528xi32, #tpu.memory_space<vmem>> -> memref<512xi32, #tpu.memory_space<vmem>>
      %dma_start3A_179 = tpu.memref_slice %arg2[%mul3A_2] : memref<16384xi32, #tpu.memory_space<hbm>> -> memref<512xi32, #tpu.memory_space<hbm>>
      tpu.enqueue_dma source(%dma_start3A_179 : memref<512xi32, #tpu.memory_space<hbm>>) target(%dma_start3A_178 : memref<512xi32, #tpu.memory_space<vmem>>) target_semaphore(%run_scoped3A : memref<!tpu.dma_semaphore, #tpu.memory_space<semaphore_mem>>)
      %dma_wait3A_180 = arith.constant 0 : i32
      %dma_wait3A_181 = tpu.memref_slice %arg7[%dma_wait3A_180] : memref<528xi32, #tpu.memory_space<vmem>> -> memref<512xi32, #tpu.memory_space<vmem>>
      %dma_wait3A_182 = tpu.memref_slice %arg2[%mul3A_2] : memref<16384xi32, #tpu.memory_space<hbm>> -> memref<512xi32, #tpu.memory_space<hbm>>
      %dma_wait3A_183 = arith.constant 0 : i32
      %dma_wait3A_184 = tpu.memref_slice %arg7[%dma_wait3A_183] : memref<528xi32, #tpu.memory_space<vmem>> -> memref<512xi32, #tpu.memory_space<vmem>>
      %dma_wait3A_185 = tpu.memref_slice %arg2[%mul3A_2] : memref<16384xi32, #tpu.memory_space<hbm>> -> memref<512xi32, #tpu.memory_space<hbm>>
      tpu.wait_dma2 semaphore(%run_scoped3A : memref<!tpu.dma_semaphore, #tpu.memory_space<semaphore_mem>>) src(%dma_wait3A_185 : memref<512xi32, #tpu.memory_space<hbm>>) dst(%dma_wait3A_184 : memref<512xi32, #tpu.memory_space<vmem>>)
      tpu.yield
    }) : () -> ()
    %scan3A = arith.constant 0 : i32
    %scan3A_3 = arith.constant 0 : i32
    %scan3A_4 = arith.constant 64 : i32
    %scan3A_5 = arith.addi %scan3A_3, %scan3A_4 : i32
    %scan3A_6 = arith.constant 1 : i32
    %scan3A_7 = scf.for %scan3A_175 = %scan3A_3 to %scan3A_5 step %scan3A_6 iter_args(%scan3A_176 = %scan3A) -> (i32)  : i32 {
      %mul3A_177 = arith.constant 8 : i32
      %mul3A_178 = arith.muli %scan3A_175, %mul3A_177 : i32
      %add3A_179 = arith.constant 0 : i32
      %add3A_180 = arith.addi %mul3A_178, %add3A_179 : i32
      %get3A = arith.index_cast %add3A_180 : i32 to index
      %get3A_181 = tpu.vector_load %arg7[%get3A] {strides = array<i32>} : memref<528xi32, #tpu.memory_space<vmem>>, vector<16xi32>,
      %get3A_182 = vector.shape_cast %get3A_181 : vector<16xi32> to vector<16xi32>
      %slice3A = vector.extract_strided_slice %get3A_182 {offsets = [0], sizes = [1], strides = [1]} : vector<16xi32> to vector<1xi32>
      %squeeze3A = vector.extract %slice3A[0] : i32 from vector<1xi32>
      %mul3A_183 = arith.constant 8 : i32
      %mul3A_184 = arith.muli %scan3A_175, %mul3A_183 : i32
      %add3A_185 = arith.constant 0 : i32
      %add3A_186 = arith.addi %mul3A_184, %add3A_185 : i32
      %dma_start3A = arith.constant 0 : i32
      %dma_start3A_187 = tpu.memref_slice %arg8[%add3A_186, %dma_start3A] : memref<512x64xf32, #tpu.memory_space<vmem>> -> memref<1x64xf32, #tpu.memory_space<vmem>>
      %dma_start3A_188 = tpu.memref_squeeze %dma_start3A_187 : memref<1x64xf32, #tpu.memory_space<vmem>> -> memref<64xf32, #tpu.memory_space<vmem>>
      %dma_start3A_189 = arith.constant 0 : i32
      %dma_start3A_190 = tpu.memref_slice %arg3[%squeeze3A, %dma_start3A_189] : memref<1000000x64xf32, #tpu.memory_space<hbm>> -> memref<1x64xf32, #tpu.memory_space<hbm>>
      %dma_start3A_191 = tpu.memref_squeeze %dma_start3A_190 : memref<1x64xf32, #tpu.memory_space<hbm>> -> memref<64xf32, #tpu.memory_space<hbm>>
      %dma_start3A_192 = arith.constant 0 : i32
      %dma_start3A_193 = tpu.memref_slice %arg8[%add3A_186, %dma_start3A_192] : memref<512x64xf32, #tpu.memory_space<vmem>> -> memref<1x64xf32, #tpu.memory_space<vmem>>
      %dma_start3A_194 = tpu.memref_squeeze %dma_start3A_193 : memref<1x64xf32, #tpu.memory_space<vmem>> -> memref<64xf32, #tpu.memory_space<vmem>>
      %dma_start3A_195 = arith.constant 0 : i32
      %dma_start3A_196 = tpu.memref_slice %arg3[%squeeze3A, %dma_start3A_195] : memref<1000000x64xf32, #tpu.memory_space<hbm>> -> memref<1x64xf32, #tpu.memory_space<hbm>>
      %dma_start3A_197 = tpu.memref_squeeze %dma_start3A_196 : memref<1x64xf32, #tpu.memory_space<hbm>> -> memref<64xf32, #tpu.memory_space<hbm>>
      tpu.enqueue_dma source(%dma_start3A_197 : memref<64xf32, #tpu.memory_space<hbm>>) target(%dma_start3A_194 : memref<64xf32, #tpu.memory_space<vmem>>) target_semaphore(%arg9 : memref<!tpu.dma_semaphore, #tpu.memory_space<semaphore_mem>>)
      %mul3A_198 = arith.constant 8 : i32
      %mul3A_199 = arith.muli %scan3A_175, %mul3A_198 : i32
      %add3A_200 = arith.constant 1 : i32
      %add3A_201 = arith.addi %mul3A_199, %add3A_200 : i32
      %get3A_202 = arith.index_cast %add3A_201 : i32 to index
      %get3A_203 = tpu.vector_load %arg7[%get3A_202] {strides = array<i32>} : memref<528xi32, #tpu.memory_space<vmem>>, vector<16xi32>,
      %get3A_204 = vector.shape_cast %get3A_203 : vector<16xi32> to vector<16xi32>
      %slice3A_205 = vector.extract_strided_slice %get3A_204 {offsets = [0], sizes = [1], strides = [1]} : vector<16xi32> to vector<1xi32>
      %squeeze3A_206 = vector.extract %slice3A_205[0] : i32 from vector<1xi32>
      %mul3A_207 = arith.constant 8 : i32
      %mul3A_208 = arith.muli %scan3A_175, %mul3A_207 : i32
      %add3A_209 = arith.constant 1 : i32
      %add3A_210 = arith.addi %mul3A_208, %add3A_209 : i32
      %dma_start3A_211 = arith.constant 0 : i32
      %dma_start3A_212 = tpu.memref_slice %arg8[%add3A_210, %dma_start3A_211] : memref<512x64xf32, #tpu.memory_space<vmem>> -> memref<1x64xf32, #tpu.memory_space<vmem>>
      %dma_start3A_213 = tpu.memref_squeeze %dma_start3A_212 : memref<1x64xf32, #tpu.memory_space<vmem>> -> memref<64xf32, #tpu.memory_space<vmem>>
      %dma_start3A_214 = arith.constant 0 : i32
      %dma_start3A_215 = tpu.memref_slice %arg3[%squeeze3A_206, %dma_start3A_214] : memref<1000000x64xf32, #tpu.memory_space<hbm>> -> memref<1x64xf32, #tpu.memory_space<hbm>>
      %dma_start3A_216 = tpu.memref_squeeze %dma_start3A_215 : memref<1x64xf32, #tpu.memory_space<hbm>> -> memref<64xf32, #tpu.memory_space<hbm>>
      %dma_start3A_217 = arith.constant 0 : i32
      %dma_start3A_218 = tpu.memref_slice %arg8[%add3A_210, %dma_start3A_217] : memref<512x64xf32, #tpu.memory_space<vmem>> -> memref<1x64xf32, #tpu.memory_space<vmem>>
      %dma_start3A_219 = tpu.memref_squeeze %dma_start3A_218 : memref<1x64xf32, #tpu.memory_space<vmem>> -> memref<64xf32, #tpu.memory_space<vmem>>
      %dma_start3A_220 = arith.constant 0 : i32
      %dma_start3A_221 = tpu.memref_slice %arg3[%squeeze3A_206, %dma_start3A_220] : memref<1000000x64xf32, #tpu.memory_space<hbm>> -> memref<1x64xf32, #tpu.memory_space<hbm>>
      %dma_start3A_222 = tpu.memref_squeeze %dma_start3A_221 : memref<1x64xf32, #tpu.memory_space<hbm>> -> memref<64xf32, #tpu.memory_space<hbm>>
      tpu.enqueue_dma source(%dma_start3A_222 : memref<64xf32, #tpu.memory_space<hbm>>) target(%dma_start3A_219 : memref<64xf32, #tpu.memory_space<vmem>>) target_semaphore(%arg10 : memref<!tpu.dma_semaphore, #tpu.memory_space<semaphore_mem>>)
      %mul3A_223 = arith.constant 8 : i32
      %mul3A_224 = arith.muli %scan3A_175, %mul3A_223 : i32
      %add3A_225 = arith.constant 2 : i32
      %add3A_226 = arith.addi %mul3A_224, %add3A_225 : i32
      %get3A_227 = arith.index_cast %add3A_226 : i32 to index
      %get3A_228 = tpu.vector_load %arg7[%get3A_227] {strides = array<i32>} : memref<528xi32, #tpu.memory_space<vmem>>, vector<16xi32>,
      %get3A_229 = vector.shape_cast %get3A_228 : vector<16xi32> to vector<16xi32>
      %slice3A_230 = vector.extract_strided_slice %get3A_229 {offsets = [0], sizes = [1], strides = [1]} : vector<16xi32> to vector<1xi32>
      %squeeze3A_231 = vector.extract %slice3A_230[0] : i32 from vector<1xi32>
      %mul3A_232 = arith.constant 8 : i32
      %mul3A_233 = arith.muli %scan3A_175, %mul3A_232 : i32
      %add3A_234 = arith.constant 2 : i32
      %add3A_235 = arith.addi %mul3A_233, %add3A_234 : i32
      %dma_start3A_236 = arith.constant 0 : i32
      %dma_start3A_237 = tpu.memref_slice %arg8[%add3A_235, %dma_start3A_236] : memref<512x64xf32, #tpu.memory_space<vmem>> -> memref<1x64xf32, #tpu.memory_space<vmem>>
      %dma_start3A_238 = tpu.memref_squeeze %dma_start3A_237 : memref<1x64xf32, #tpu.memory_space<vmem>> -> memref<64xf32, #tpu.memory_space<vmem>>
      %dma_start3A_239 = arith.constant 0 : i32
      %dma_start3A_240 = tpu.memref_slice %arg3[%squeeze3A_231, %dma_start3A_239] : memref<1000000x64xf32, #tpu.memory_space<hbm>> -> memref<1x64xf32, #tpu.memory_space<hbm>>
      %dma_start3A_241 = tpu.memref_squeeze %dma_start3A_240 : memref<1x64xf32, #tpu.memory_space<hbm>> -> memref<64xf32, #tpu.memory_space<hbm>>
      %dma_start3A_242 = arith.constant 0 : i32
      %dma_start3A_243 = tpu.memref_slice %arg8[%add3A_235, %dma_start3A_242] : memref<512x64xf32, #tpu.memory_space<vmem>> -> memref<1x64xf32, #tpu.memory_space<vmem>>
      %dma_start3A_244 = tpu.memref_squeeze %dma_start3A_243 : memref<1x64xf32, #tpu.memory_space<vmem>> -> memref<64xf32, #tpu.memory_space<vmem>>
      %dma_start3A_245 = arith.constant 0 : i32
      %dma_start3A_246 = tpu.memref_slice %arg3[%squeeze3A_231, %dma_start3A_245] : memref<1000000x64xf32, #tpu.memory_space<hbm>> -> memref<1x64xf32, #tpu.memory_space<hbm>>
      %dma_start3A_247 = tpu.memref_squeeze %dma_start3A_246 : memref<1x64xf32, #tpu.memory_space<hbm>> -> memref<64xf32, #tpu.memory_space<hbm>>
      tpu.enqueue_dma source(%dma_start3A_247 : memref<64xf32, #tpu.memory_space<hbm>>) target(%dma_start3A_244 : memref<64xf32, #tpu.memory_space<vmem>>) target_semaphore(%arg11 : memref<!tpu.dma_semaphore, #tpu.memory_space<semaphore_mem>>)
      %mul3A_248 = arith.constant 8 : i32
      %mul3A_249 = arith.muli %scan3A_175, %mul3A_248 : i32
      %add3A_250 = arith.constant 3 : i32
      %add3A_251 = arith.addi %mul3A_249, %add3A_250 : i32
      %get3A_252 = arith.index_cast %add3A_251 : i32 to index
      %get3A_253 = tpu.vector_load %arg7[%get3A_252] {strides = array<i32>} : memref<528xi32, #tpu.memory_space<vmem>>, vector<16xi32>,
      %get3A_254 = vector.shape_cast %get3A_253 : vector<16xi32> to vector<16xi32>
      %slice3A_255 = vector.extract_strided_slice %get3A_254 {offsets = [0], sizes = [1], strides = [1]} : vector<16xi32> to vector<1xi32>
      %squeeze3A_256 = vector.extract %slice3A_255[0] : i32 from vector<1xi32>
      %mul3A_257 = arith.constant 8 : i32
      %mul3A_258 = arith.muli %scan3A_175, %mul3A_257 : i32
      %add3A_259 = arith.constant 3 : i32
      %add3A_260 = arith.addi %mul3A_258, %add3A_259 : i32
      %dma_start3A_261 = arith.constant 0 : i32
      %dma_start3A_262 = tpu.memref_slice %arg8[%add3A_260, %dma_start3A_261] : memref<512x64xf32, #tpu.memory_space<vmem>> -> memref<1x64xf32, #tpu.memory_space<vmem>>
      %dma_start3A_263 = tpu.memref_squeeze %dma_start3A_262 : memref<1x64xf32, #tpu.memory_space<vmem>> -> memref<64xf32, #tpu.memory_space<vmem>>
      %dma_start3A_264 = arith.constant 0 : i32
      %dma_start3A_265 = tpu.memref_slice %arg3[%squeeze3A_256, %dma_start3A_264] : memref<1000000x64xf32, #tpu.memory_space<hbm>> -> memref<1x64xf32, #tpu.memory_space<hbm>>
      %dma_start3A_266 = tpu.memref_squeeze %dma_start3A_265 : memref<1x64xf32, #tpu.memory_space<hbm>> -> memref<64xf32, #tpu.memory_space<hbm>>
      %dma_start3A_267 = arith.constant 0 : i32
      %dma_start3A_268 = tpu.memref_slice %arg8[%add3A_260, %dma_start3A_267] : memref<512x64xf32, #tpu.memory_space<vmem>> -> memref<1x64xf32, #tpu.memory_space<vmem>>
      %dma_start3A_269 = tpu.memref_squeeze %dma_start3A_268 : memref<1x64xf32, #tpu.memory_space<vmem>> -> memref<64xf32, #tpu.memory_space<vmem>>
      %dma_start3A_270 = arith.constant 0 : i32
      %dma_start3A_271 = tpu.memref_slice %arg3[%squeeze3A_256, %dma_start3A_270] : memref<1000000x64xf32, #tpu.memory_space<hbm>> -> memref<1x64xf32, #tpu.memory_space<hbm>>
      %dma_start3A_272 = tpu.memref_squeeze %dma_start3A_271 : memref<1x64xf32, #tpu.memory_space<hbm>> -> memref<64xf32, #tpu.memory_space<hbm>>
      tpu.enqueue_dma source(%dma_start3A_272 : memref<64xf32, #tpu.memory_space<hbm>>) target(%dma_start3A_269 : memref<64xf32, #tpu.memory_space<vmem>>) target_semaphore(%arg12 : memref<!tpu.dma_semaphore, #tpu.memory_space<semaphore_mem>>)
      %mul3A_273 = arith.constant 8 : i32
      %mul3A_274 = arith.muli %scan3A_175, %mul3A_273 : i32
      %add3A_275 = arith.constant 4 : i32
      %add3A_276 = arith.addi %mul3A_274, %add3A_275 : i32
      %get3A_277 = arith.index_cast %add3A_276 : i32 to index
      %get3A_278 = tpu.vector_load %arg7[%get3A_277] {strides = array<i32>} : memref<528xi32, #tpu.memory_space<vmem>>, vector<16xi32>,
      %get3A_279 = vector.shape_cast %get3A_278 : vector<16xi32> to vector<16xi32>
      %slice3A_280 = vector.extract_strided_slice %get3A_279 {offsets = [0], sizes = [1], strides = [1]} : vector<16xi32> to vector<1xi32>
      %squeeze3A_281 = vector.extract %slice3A_280[0] : i32 from vector<1xi32>
      %mul3A_282 = arith.constant 8 : i32
      %mul3A_283 = arith.muli %scan3A_175, %mul3A_282 : i32
      %add3A_284 = arith.constant 4 : i32
      %add3A_285 = arith.addi %mul3A_283, %add3A_284 : i32
      %dma_start3A_286 = arith.constant 0 : i32
      %dma_start3A_287 = tpu.memref_slice %arg8[%add3A_285, %dma_start3A_286] : memref<512x64xf32, #tpu.memory_space<vmem>> -> memref<1x64xf32, #tpu.memory_space<vmem>>
      %dma_start3A_288 = tpu.memref_squeeze %dma_start3A_287 : memref<1x64xf32, #tpu.memory_space<vmem>> -> memref<64xf32, #tpu.memory_space<vmem>>
      %dma_start3A_289 = arith.constant 0 : i32
      %dma_start3A_290 = tpu.memref_slice %arg3[%squeeze3A_281, %dma_start3A_289] : memref<1000000x64xf32, #tpu.memory_space<hbm>> -> memref<1x64xf32, #tpu.memory_space<hbm>>
      %dma_start3A_291 = tpu.memref_squeeze %dma_start3A_290 : memref<1x64xf32, #tpu.memory_space<hbm>> -> memref<64xf32, #tpu.memory_space<hbm>>
      %dma_start3A_292 = arith.constant 0 : i32
      %dma_start3A_293 = tpu.memref_slice %arg8[%add3A_285, %dma_start3A_292] : memref<512x64xf32, #tpu.memory_space<vmem>> -> memref<1x64xf32, #tpu.memory_space<vmem>>
      %dma_start3A_294 = tpu.memref_squeeze %dma_start3A_293 : memref<1x64xf32, #tpu.memory_space<vmem>> -> memref<64xf32, #tpu.memory_space<vmem>>
      %dma_start3A_295 = arith.constant 0 : i32
      %dma_start3A_296 = tpu.memref_slice %arg3[%squeeze3A_281, %dma_start3A_295] : memref<1000000x64xf32, #tpu.memory_space<hbm>> -> memref<1x64xf32, #tpu.memory_space<hbm>>
      %dma_start3A_297 = tpu.memref_squeeze %dma_start3A_296 : memref<1x64xf32, #tpu.memory_space<hbm>> -> memref<64xf32, #tpu.memory_space<hbm>>
      tpu.enqueue_dma source(%dma_start3A_297 : memref<64xf32, #tpu.memory_space<hbm>>) target(%dma_start3A_294 : memref<64xf32, #tpu.memory_space<vmem>>) target_semaphore(%arg13 : memref<!tpu.dma_semaphore, #tpu.memory_space<semaphore_mem>>)
      %mul3A_298 = arith.constant 8 : i32
      %mul3A_299 = arith.muli %scan3A_175, %mul3A_298 : i32
      %add3A_300 = arith.constant 5 : i32
      %add3A_301 = arith.addi %mul3A_299, %add3A_300 : i32
      %get3A_302 = arith.index_cast %add3A_301 : i32 to index
      %get3A_303 = tpu.vector_load %arg7[%get3A_302] {strides = array<i32>} : memref<528xi32, #tpu.memory_space<vmem>>, vector<16xi32>,
      %get3A_304 = vector.shape_cast %get3A_303 : vector<16xi32> to vector<16xi32>
      %slice3A_305 = vector.extract_strided_slice %get3A_304 {offsets = [0], sizes = [1], strides = [1]} : vector<16xi32> to vector<1xi32>
      %squeeze3A_306 = vector.extract %slice3A_305[0] : i32 from vector<1xi32>
      %mul3A_307 = arith.constant 8 : i32
      %mul3A_308 = arith.muli %scan3A_175, %mul3A_307 : i32
      %add3A_309 = arith.constant 5 : i32
      %add3A_310 = arith.addi %mul3A_308, %add3A_309 : i32
      %dma_start3A_311 = arith.constant 0 : i32
      %dma_start3A_312 = tpu.memref_slice %arg8[%add3A_310, %dma_start3A_311] : memref<512x64xf32, #tpu.memory_space<vmem>> -> memref<1x64xf32, #tpu.memory_space<vmem>>
      %dma_start3A_313 = tpu.memref_squeeze %dma_start3A_312 : memref<1x64xf32, #tpu.memory_space<vmem>> -> memref<64xf32, #tpu.memory_space<vmem>>
      %dma_start3A_314 = arith.constant 0 : i32
      %dma_start3A_315 = tpu.memref_slice %arg3[%squeeze3A_306, %dma_start3A_314] : memref<1000000x64xf32, #tpu.memory_space<hbm>> -> memref<1x64xf32, #tpu.memory_space<hbm>>
      %dma_start3A_316 = tpu.memref_squeeze %dma_start3A_315 : memref<1x64xf32, #tpu.memory_space<hbm>> -> memref<64xf32, #tpu.memory_space<hbm>>
      %dma_start3A_317 = arith.constant 0 : i32
      %dma_start3A_318 = tpu.memref_slice %arg8[%add3A_310, %dma_start3A_317] : memref<512x64xf32, #tpu.memory_space<vmem>> -> memref<1x64xf32, #tpu.memory_space<vmem>>
      %dma_start3A_319 = tpu.memref_squeeze %dma_start3A_318 : memref<1x64xf32, #tpu.memory_space<vmem>> -> memref<64xf32, #tpu.memory_space<vmem>>
      %dma_start3A_320 = arith.constant 0 : i32
      %dma_start3A_321 = tpu.memref_slice %arg3[%squeeze3A_306, %dma_start3A_320] : memref<1000000x64xf32, #tpu.memory_space<hbm>> -> memref<1x64xf32, #tpu.memory_space<hbm>>
      %dma_start3A_322 = tpu.memref_squeeze %dma_start3A_321 : memref<1x64xf32, #tpu.memory_space<hbm>> -> memref<64xf32, #tpu.memory_space<hbm>>
      tpu.enqueue_dma source(%dma_start3A_322 : memref<64xf32, #tpu.memory_space<hbm>>) target(%dma_start3A_319 : memref<64xf32, #tpu.memory_space<vmem>>) target_semaphore(%arg14 : memref<!tpu.dma_semaphore, #tpu.memory_space<semaphore_mem>>)
      %mul3A_323 = arith.constant 8 : i32
      %mul3A_324 = arith.muli %scan3A_175, %mul3A_323 : i32
      %add3A_325 = arith.constant 6 : i32
      %add3A_326 = arith.addi %mul3A_324, %add3A_325 : i32
      %get3A_327 = arith.index_cast %add3A_326 : i32 to index
      %get3A_328 = tpu.vector_load %arg7[%get3A_327] {strides = array<i32>} : memref<528xi32, #tpu.memory_space<vmem>>, vector<16xi32>,
      %get3A_329 = vector.shape_cast %get3A_328 : vector<16xi32> to vector<16xi32>
      %slice3A_330 = vector.extract_strided_slice %get3A_329 {offsets = [0], sizes = [1], strides = [1]} : vector<16xi32> to vector<1xi32>
      %squeeze3A_331 = vector.extract %slice3A_330[0] : i32 from vector<1xi32>
      %mul3A_332 = arith.constant 8 : i32
      %mul3A_333 = arith.muli %scan3A_175, %mul3A_332 : i32
      %add3A_334 = arith.constant 6 : i32
      %add3A_335 = arith.addi %mul3A_333, %add3A_334 : i32
      %dma_start3A_336 = arith.constant 0 : i32
      %dma_start3A_337 = tpu.memref_slice %arg8[%add3A_335, %dma_start3A_336] : memref<512x64xf32, #tpu.memory_space<vmem>> -> memref<1x64xf32, #tpu.memory_space<vmem>>
      %dma_start3A_338 = tpu.memref_squeeze %dma_start3A_337 : memref<1x64xf32, #tpu.memory_space<vmem>> -> memref<64xf32, #tpu.memory_space<vmem>>
      %dma_start3A_339 = arith.constant 0 : i32
      %dma_start3A_340 = tpu.memref_slice %arg3[%squeeze3A_331, %dma_start3A_339] : memref<1000000x64xf32, #tpu.memory_space<hbm>> -> memref<1x64xf32, #tpu.memory_space<hbm>>
      %dma_start3A_341 = tpu.memref_squeeze %dma_start3A_340 : memref<1x64xf32, #tpu.memory_space<hbm>> -> memref<64xf32, #tpu.memory_space<hbm>>
      %dma_start3A_342 = arith.constant 0 : i32
      %dma_start3A_343 = tpu.memref_slice %arg8[%add3A_335, %dma_start3A_342] : memref<512x64xf32, #tpu.memory_space<vmem>> -> memref<1x64xf32, #tpu.memory_space<vmem>>
      %dma_start3A_344 = tpu.memref_squeeze %dma_start3A_343 : memref<1x64xf32, #tpu.memory_space<vmem>> -> memref<64xf32, #tpu.memory_space<vmem>>
      %dma_start3A_345 = arith.constant 0 : i32
      %dma_start3A_346 = tpu.memref_slice %arg3[%squeeze3A_331, %dma_start3A_345] : memref<1000000x64xf32, #tpu.memory_space<hbm>> -> memref<1x64xf32, #tpu.memory_space<hbm>>
      %dma_start3A_347 = tpu.memref_squeeze %dma_start3A_346 : memref<1x64xf32, #tpu.memory_space<hbm>> -> memref<64xf32, #tpu.memory_space<hbm>>
      tpu.enqueue_dma source(%dma_start3A_347 : memref<64xf32, #tpu.memory_space<hbm>>) target(%dma_start3A_344 : memref<64xf32, #tpu.memory_space<vmem>>) target_semaphore(%arg15 : memref<!tpu.dma_semaphore, #tpu.memory_space<semaphore_mem>>)
      %mul3A_348 = arith.constant 8 : i32
      %mul3A_349 = arith.muli %scan3A_175, %mul3A_348 : i32
      %add3A_350 = arith.constant 7 : i32
      %add3A_351 = arith.addi %mul3A_349, %add3A_350 : i32
      %get3A_352 = arith.index_cast %add3A_351 : i32 to index
      %get3A_353 = tpu.vector_load %arg7[%get3A_352] {strides = array<i32>} : memref<528xi32, #tpu.memory_space<vmem>>, vector<16xi32>,
      %get3A_354 = vector.shape_cast %get3A_353 : vector<16xi32> to vector<16xi32>
      %slice3A_355 = vector.extract_strided_slice %get3A_354 {offsets = [0], sizes = [1], strides = [1]} : vector<16xi32> to vector<1xi32>
      %squeeze3A_356 = vector.extract %slice3A_355[0] : i32 from vector<1xi32>
      %mul3A_357 = arith.constant 8 : i32
      %mul3A_358 = arith.muli %scan3A_175, %mul3A_357 : i32
      %add3A_359 = arith.constant 7 : i32
      %add3A_360 = arith.addi %mul3A_358, %add3A_359 : i32
      %dma_start3A_361 = arith.constant 0 : i32
      %dma_start3A_362 = tpu.memref_slice %arg8[%add3A_360, %dma_start3A_361] : memref<512x64xf32, #tpu.memory_space<vmem>> -> memref<1x64xf32, #tpu.memory_space<vmem>>
      %dma_start3A_363 = tpu.memref_squeeze %dma_start3A_362 : memref<1x64xf32, #tpu.memory_space<vmem>> -> memref<64xf32, #tpu.memory_space<vmem>>
      %dma_start3A_364 = arith.constant 0 : i32
      %dma_start3A_365 = tpu.memref_slice %arg3[%squeeze3A_356, %dma_start3A_364] : memref<1000000x64xf32, #tpu.memory_space<hbm>> -> memref<1x64xf32, #tpu.memory_space<hbm>>
      %dma_start3A_366 = tpu.memref_squeeze %dma_start3A_365 : memref<1x64xf32, #tpu.memory_space<hbm>> -> memref<64xf32, #tpu.memory_space<hbm>>
      %dma_start3A_367 = arith.constant 0 : i32
      %dma_start3A_368 = tpu.memref_slice %arg8[%add3A_360, %dma_start3A_367] : memref<512x64xf32, #tpu.memory_space<vmem>> -> memref<1x64xf32, #tpu.memory_space<vmem>>
      %dma_start3A_369 = tpu.memref_squeeze %dma_start3A_368 : memref<1x64xf32, #tpu.memory_space<vmem>> -> memref<64xf32, #tpu.memory_space<vmem>>
      %dma_start3A_370 = arith.constant 0 : i32
      %dma_start3A_371 = tpu.memref_slice %arg3[%squeeze3A_356, %dma_start3A_370] : memref<1000000x64xf32, #tpu.memory_space<hbm>> -> memref<1x64xf32, #tpu.memory_space<hbm>>
      %dma_start3A_372 = tpu.memref_squeeze %dma_start3A_371 : memref<1x64xf32, #tpu.memory_space<hbm>> -> memref<64xf32, #tpu.memory_space<hbm>>
      tpu.enqueue_dma source(%dma_start3A_372 : memref<64xf32, #tpu.memory_space<hbm>>) target(%dma_start3A_369 : memref<64xf32, #tpu.memory_space<vmem>>) target_semaphore(%arg16 : memref<!tpu.dma_semaphore, #tpu.memory_space<semaphore_mem>>)
      %scan3A_373 = arith.constant 0 : i32
      scf.yield %scan3A_373 : i32
    }
    %scan3A_8 = arith.constant 64 : i32
    %dma_wait3A = arith.constant 0 : i32
    %dma_wait3A_9 = arith.constant 0 : i32
    %dma_wait3A_10 = tpu.memref_slice %arg8[%dma_wait3A, %dma_wait3A_9] : memref<512x64xf32, #tpu.memory_space<vmem>> -> memref<64x64xf32, #tpu.memory_space<vmem>>
    %dma_wait3A_11 = arith.constant 0 : i32
    %dma_wait3A_12 = tpu.memref_slice %arg5[%mul3A_2, %dma_wait3A_11] : memref<16384x64xf32, #tpu.memory_space<hbm>> -> memref<64x64xf32, #tpu.memory_space<hbm>>
    %dma_wait3A_13 = arith.constant 0 : i32
    %dma_wait3A_14 = arith.constant 0 : i32
    %dma_wait3A_15 = tpu.memref_slice %arg8[%dma_wait3A_13, %dma_wait3A_14] : memref<512x64xf32, #tpu.memory_space<vmem>> -> memref<64x64xf32, #tpu.memory_space<vmem>>
    %dma_wait3A_16 = arith.constant 0 : i32
    %dma_wait3A_17 = tpu.memref_slice %arg5[%mul3A_2, %dma_wait3A_16] : memref<16384x64xf32, #tpu.memory_space<hbm>> -> memref<64x64xf32, #tpu.memory_space<hbm>>
    tpu.wait_dma2 semaphore(%arg9 : memref<!tpu.dma_semaphore, #tpu.memory_space<semaphore_mem>>) src(%dma_wait3A_17 : memref<64x64xf32, #tpu.memory_space<hbm>>) dst(%dma_wait3A_15 : memref<64x64xf32, #tpu.memory_space<vmem>>)
    %dma_wait3A_18 = arith.constant 0 : i32
    %dma_wait3A_19 = arith.constant 0 : i32
    %dma_wait3A_20 = tpu.memref_slice %arg8[%dma_wait3A_18, %dma_wait3A_19] : memref<512x64xf32, #tpu.memory_space<vmem>> -> memref<64x64xf32, #tpu.memory_space<vmem>>
    %dma_wait3A_21 = arith.constant 0 : i32
    %dma_wait3A_22 = tpu.memref_slice %arg5[%mul3A_2, %dma_wait3A_21] : memref<16384x64xf32, #tpu.memory_space<hbm>> -> memref<64x64xf32, #tpu.memory_space<hbm>>
    %dma_wait3A_23 = arith.constant 0 : i32
    %dma_wait3A_24 = arith.constant 0 : i32
    %dma_wait3A_25 = tpu.memref_slice %arg8[%dma_wait3A_23, %dma_wait3A_24] : memref<512x64xf32, #tpu.memory_space<vmem>> -> memref<64x64xf32, #tpu.memory_space<vmem>>
    %dma_wait3A_26 = arith.constant 0 : i32
    %dma_wait3A_27 = tpu.memref_slice %arg5[%mul3A_2, %dma_wait3A_26] : memref<16384x64xf32, #tpu.memory_space<hbm>> -> memref<64x64xf32, #tpu.memory_space<hbm>>
    tpu.wait_dma2 semaphore(%arg10 : memref<!tpu.dma_semaphore, #tpu.memory_space<semaphore_mem>>) src(%dma_wait3A_27 : memref<64x64xf32, #tpu.memory_space<hbm>>) dst(%dma_wait3A_25 : memref<64x64xf32, #tpu.memory_space<vmem>>)
    %dma_wait3A_28 = arith.constant 0 : i32
    %dma_wait3A_29 = arith.constant 0 : i32
    %dma_wait3A_30 = tpu.memref_slice %arg8[%dma_wait3A_28, %dma_wait3A_29] : memref<512x64xf32, #tpu.memory_space<vmem>> -> memref<64x64xf32, #tpu.memory_space<vmem>>
    %dma_wait3A_31 = arith.constant 0 : i32
    %dma_wait3A_32 = tpu.memref_slice %arg5[%mul3A_2, %dma_wait3A_31] : memref<16384x64xf32, #tpu.memory_space<hbm>> -> memref<64x64xf32, #tpu.memory_space<hbm>>
    %dma_wait3A_33 = arith.constant 0 : i32
    %dma_wait3A_34 = arith.constant 0 : i32
    %dma_wait3A_35 = tpu.memref_slice %arg8[%dma_wait3A_33, %dma_wait3A_34] : memref<512x64xf32, #tpu.memory_space<vmem>> -> memref<64x64xf32, #tpu.memory_space<vmem>>
    %dma_wait3A_36 = arith.constant 0 : i32
    %dma_wait3A_37 = tpu.memref_slice %arg5[%mul3A_2, %dma_wait3A_36] : memref<16384x64xf32, #tpu.memory_space<hbm>> -> memref<64x64xf32, #tpu.memory_space<hbm>>
    tpu.wait_dma2 semaphore(%arg11 : memref<!tpu.dma_semaphore, #tpu.memory_space<semaphore_mem>>) src(%dma_wait3A_37 : memref<64x64xf32, #tpu.memory_space<hbm>>) dst(%dma_wait3A_35 : memref<64x64xf32, #tpu.memory_space<vmem>>)
    %dma_wait3A_38 = arith.constant 0 : i32
    %dma_wait3A_39 = arith.constant 0 : i32
    %dma_wait3A_40 = tpu.memref_slice %arg8[%dma_wait3A_38, %dma_wait3A_39] : memref<512x64xf32, #tpu.memory_space<vmem>> -> memref<64x64xf32, #tpu.memory_space<vmem>>
    %dma_wait3A_41 = arith.constant 0 : i32
    %dma_wait3A_42 = tpu.memref_slice %arg5[%mul3A_2, %dma_wait3A_41] : memref<16384x64xf32, #tpu.memory_space<hbm>> -> memref<64x64xf32, #tpu.memory_space<hbm>>
    %dma_wait3A_43 = arith.constant 0 : i32
    %dma_wait3A_44 = arith.constant 0 : i32
    %dma_wait3A_45 = tpu.memref_slice %arg8[%dma_wait3A_43, %dma_wait3A_44] : memref<512x64xf32, #tpu.memory_space<vmem>> -> memref<64x64xf32, #tpu.memory_space<vmem>>
    %dma_wait3A_46 = arith.constant 0 : i32
    %dma_wait3A_47 = tpu.memref_slice %arg5[%mul3A_2, %dma_wait3A_46] : memref<16384x64xf32, #tpu.memory_space<hbm>> -> memref<64x64xf32, #tpu.memory_space<hbm>>
    tpu.wait_dma2 semaphore(%arg12 : memref<!tpu.dma_semaphore, #tpu.memory_space<semaphore_mem>>) src(%dma_wait3A_47 : memref<64x64xf32, #tpu.memory_space<hbm>>) dst(%dma_wait3A_45 : memref<64x64xf32, #tpu.memory_space<vmem>>)
    %dma_wait3A_48 = arith.constant 0 : i32
    %dma_wait3A_49 = arith.constant 0 : i32
    %dma_wait3A_50 = tpu.memref_slice %arg8[%dma_wait3A_48, %dma_wait3A_49] : memref<512x64xf32, #tpu.memory_space<vmem>> -> memref<64x64xf32, #tpu.memory_space<vmem>>
    %dma_wait3A_51 = arith.constant 0 : i32
    %dma_wait3A_52 = tpu.memref_slice %arg5[%mul3A_2, %dma_wait3A_51] : memref<16384x64xf32, #tpu.memory_space<hbm>> -> memref<64x64xf32, #tpu.memory_space<hbm>>
    %dma_wait3A_53 = arith.constant 0 : i32
    %dma_wait3A_54 = arith.constant 0 : i32
    %dma_wait3A_55 = tpu.memref_slice %arg8[%dma_wait3A_53, %dma_wait3A_54] : memref<512x64xf32, #tpu.memory_space<vmem>> -> memref<64x64xf32, #tpu.memory_space<vmem>>
    %dma_wait3A_56 = arith.constant 0 : i32
    %dma_wait3A_57 = tpu.memref_slice %arg5[%mul3A_2, %dma_wait3A_56] : memref<16384x64xf32, #tpu.memory_space<hbm>> -> memref<64x64xf32, #tpu.memory_space<hbm>>
    tpu.wait_dma2 semaphore(%arg13 : memref<!tpu.dma_semaphore, #tpu.memory_space<semaphore_mem>>) src(%dma_wait3A_57 : memref<64x64xf32, #tpu.memory_space<hbm>>) dst(%dma_wait3A_55 : memref<64x64xf32, #tpu.memory_space<vmem>>)
    %dma_wait3A_58 = arith.constant 0 : i32
    %dma_wait3A_59 = arith.constant 0 : i32
    %dma_wait3A_60 = tpu.memref_slice %arg8[%dma_wait3A_58, %dma_wait3A_59] : memref<512x64xf32, #tpu.memory_space<vmem>> -> memref<64x64xf32, #tpu.memory_space<vmem>>
    %dma_wait3A_61 = arith.constant 0 : i32
    %dma_wait3A_62 = tpu.memref_slice %arg5[%mul3A_2, %dma_wait3A_61] : memref<16384x64xf32, #tpu.memory_space<hbm>> -> memref<64x64xf32, #tpu.memory_space<hbm>>
    %dma_wait3A_63 = arith.constant 0 : i32
    %dma_wait3A_64 = arith.constant 0 : i32
    %dma_wait3A_65 = tpu.memref_slice %arg8[%dma_wait3A_63, %dma_wait3A_64] : memref<512x64xf32, #tpu.memory_space<vmem>> -> memref<64x64xf32, #tpu.memory_space<vmem>>
    %dma_wait3A_66 = arith.constant 0 : i32
    %dma_wait3A_67 = tpu.memref_slice %arg5[%mul3A_2, %dma_wait3A_66] : memref<16384x64xf32, #tpu.memory_space<hbm>> -> memref<64x64xf32, #tpu.memory_space<hbm>>
    tpu.wait_dma2 semaphore(%arg14 : memref<!tpu.dma_semaphore, #tpu.memory_space<semaphore_mem>>) src(%dma_wait3A_67 : memref<64x64xf32, #tpu.memory_space<hbm>>) dst(%dma_wait3A_65 : memref<64x64xf32, #tpu.memory_space<vmem>>)
    %dma_wait3A_68 = arith.constant 0 : i32
    %dma_wait3A_69 = arith.constant 0 : i32
    %dma_wait3A_70 = tpu.memref_slice %arg8[%dma_wait3A_68, %dma_wait3A_69] : memref<512x64xf32, #tpu.memory_space<vmem>> -> memref<64x64xf32, #tpu.memory_space<vmem>>
    %dma_wait3A_71 = arith.constant 0 : i32
    %dma_wait3A_72 = tpu.memref_slice %arg5[%mul3A_2, %dma_wait3A_71] : memref<16384x64xf32, #tpu.memory_space<hbm>> -> memref<64x64xf32, #tpu.memory_space<hbm>>
    %dma_wait3A_73 = arith.constant 0 : i32
    %dma_wait3A_74 = arith.constant 0 : i32
    %dma_wait3A_75 = tpu.memref_slice %arg8[%dma_wait3A_73, %dma_wait3A_74] : memref<512x64xf32, #tpu.memory_space<vmem>> -> memref<64x64xf32, #tpu.memory_space<vmem>>
    %dma_wait3A_76 = arith.constant 0 : i32
    %dma_wait3A_77 = tpu.memref_slice %arg5[%mul3A_2, %dma_wait3A_76] : memref<16384x64xf32, #tpu.memory_space<hbm>> -> memref<64x64xf32, #tpu.memory_space<hbm>>
    tpu.wait_dma2 semaphore(%arg15 : memref<!tpu.dma_semaphore, #tpu.memory_space<semaphore_mem>>) src(%dma_wait3A_77 : memref<64x64xf32, #tpu.memory_space<hbm>>) dst(%dma_wait3A_75 : memref<64x64xf32, #tpu.memory_space<vmem>>)
    %dma_wait3A_78 = arith.constant 0 : i32
    %dma_wait3A_79 = arith.constant 0 : i32
    %dma_wait3A_80 = tpu.memref_slice %arg8[%dma_wait3A_78, %dma_wait3A_79] : memref<512x64xf32, #tpu.memory_space<vmem>> -> memref<64x64xf32, #tpu.memory_space<vmem>>
    %dma_wait3A_81 = arith.constant 0 : i32
    %dma_wait3A_82 = tpu.memref_slice %arg5[%mul3A_2, %dma_wait3A_81] : memref<16384x64xf32, #tpu.memory_space<hbm>> -> memref<64x64xf32, #tpu.memory_space<hbm>>
    %dma_wait3A_83 = arith.constant 0 : i32
    %dma_wait3A_84 = arith.constant 0 : i32
    %dma_wait3A_85 = tpu.memref_slice %arg8[%dma_wait3A_83, %dma_wait3A_84] : memref<512x64xf32, #tpu.memory_space<vmem>> -> memref<64x64xf32, #tpu.memory_space<vmem>>
    %dma_wait3A_86 = arith.constant 0 : i32
    %dma_wait3A_87 = tpu.memref_slice %arg5[%mul3A_2, %dma_wait3A_86] : memref<16384x64xf32, #tpu.memory_space<hbm>> -> memref<64x64xf32, #tpu.memory_space<hbm>>
    tpu.wait_dma2 semaphore(%arg16 : memref<!tpu.dma_semaphore, #tpu.memory_space<semaphore_mem>>) src(%dma_wait3A_87 : memref<64x64xf32, #tpu.memory_space<hbm>>) dst(%dma_wait3A_85 : memref<64x64xf32, #tpu.memory_space<vmem>>)
    "tpu.region"() ({
      %run_scoped3A = tpu.sem_alloc : memref<!tpu.dma_semaphore, #tpu.memory_space<semaphore_mem>>
      %dma_start3A = arith.constant 0 : i32
      %dma_start3A_175 = tpu.memref_slice %arg5[%mul3A_2, %dma_start3A] : memref<16384x64xf32, #tpu.memory_space<hbm>> -> memref<512x64xf32, #tpu.memory_space<hbm>>
      %dma_start3A_176 = arith.constant 0 : i32
      %dma_start3A_177 = tpu.memref_slice %arg5[%mul3A_2, %dma_start3A_176] : memref<16384x64xf32, #tpu.memory_space<hbm>> -> memref<512x64xf32, #tpu.memory_space<hbm>>
      tpu.enqueue_dma source(%arg8 : memref<512x64xf32, #tpu.memory_space<vmem>>) target(%dma_start3A_177 : memref<512x64xf32, #tpu.memory_space<hbm>>) target_semaphore(%run_scoped3A : memref<!tpu.dma_semaphore, #tpu.memory_space<semaphore_mem>>)
      %dma_wait3A_178 = arith.constant 0 : i32
      %dma_wait3A_179 = tpu.memref_slice %arg5[%mul3A_2, %dma_wait3A_178] : memref<16384x64xf32, #tpu.memory_space<hbm>> -> memref<512x64xf32, #tpu.memory_space<hbm>>
      %dma_wait3A_180 = arith.constant 0 : i32
      %dma_wait3A_181 = tpu.memref_slice %arg5[%mul3A_2, %dma_wait3A_180] : memref<16384x64xf32, #tpu.memory_space<hbm>> -> memref<512x64xf32, #tpu.memory_space<hbm>>
      tpu.wait_dma2 semaphore(%run_scoped3A : memref<!tpu.dma_semaphore, #tpu.memory_space<semaphore_mem>>) src(%arg8 : memref<512x64xf32, #tpu.memory_space<vmem>>) dst(%dma_wait3A_181 : memref<512x64xf32, #tpu.memory_space<hbm>>)
      tpu.yield
    }) : () -> ()
    %scan3A_88 = arith.constant 0 : i32
    %scan3A_89 = arith.constant 0 : i32
    %scan3A_90 = arith.constant 64 : i32
    %scan3A_91 = arith.addi %scan3A_89, %scan3A_90 : i32
    %scan3A_92 = arith.constant 1 : i32
    %scan3A_93 = scf.for %scan3A_175 = %scan3A_89 to %scan3A_91 step %scan3A_92 iter_args(%scan3A_176 = %scan3A_88) -> (i32)  : i32 {
      %mul3A_177 = arith.constant 8 : i32
      %mul3A_178 = arith.muli %scan3A_175, %mul3A_177 : i32
      %add3A_179 = arith.constant 0 : i32
      %add3A_180 = arith.addi %mul3A_178, %add3A_179 : i32
      %get3A = arith.index_cast %add3A_180 : i32 to index
      %get3A_181 = tpu.vector_load %arg7[%get3A] {strides = array<i32>} : memref<528xi32, #tpu.memory_space<vmem>>, vector<16xi32>,
      %get3A_182 = vector.shape_cast %get3A_181 : vector<16xi32> to vector<16xi32>
      %slice3A = vector.extract_strided_slice %get3A_182 {offsets = [0], sizes = [1], strides = [1]} : vector<16xi32> to vector<1xi32>
      %squeeze3A = vector.extract %slice3A[0] : i32 from vector<1xi32>
      %mul3A_183 = arith.constant 8 : i32
      %mul3A_184 = arith.muli %scan3A_175, %mul3A_183 : i32
      %add3A_185 = arith.constant 0 : i32
      %add3A_186 = arith.addi %mul3A_184, %add3A_185 : i32
      %dma_start3A = arith.constant 0 : i32
      %dma_start3A_187 = tpu.memref_slice %arg8[%add3A_186, %dma_start3A] : memref<512x64xf32, #tpu.memory_space<vmem>> -> memref<1x64xf32, #tpu.memory_space<vmem>>
      %dma_start3A_188 = tpu.memref_squeeze %dma_start3A_187 : memref<1x64xf32, #tpu.memory_space<vmem>> -> memref<64xf32, #tpu.memory_space<vmem>>
      %dma_start3A_189 = arith.constant 0 : i32
      %dma_start3A_190 = tpu.memref_slice %arg4[%squeeze3A, %dma_start3A_189] : memref<1000000x64xf32, #tpu.memory_space<hbm>> -> memref<1x64xf32, #tpu.memory_space<hbm>>
      %dma_start3A_191 = tpu.memref_squeeze %dma_start3A_190 : memref<1x64xf32, #tpu.memory_space<hbm>> -> memref<64xf32, #tpu.memory_space<hbm>>
      %dma_start3A_192 = arith.constant 0 : i32
      %dma_start3A_193 = tpu.memref_slice %arg8[%add3A_186, %dma_start3A_192] : memref<512x64xf32, #tpu.memory_space<vmem>> -> memref<1x64xf32, #tpu.memory_space<vmem>>
      %dma_start3A_194 = tpu.memref_squeeze %dma_start3A_193 : memref<1x64xf32, #tpu.memory_space<vmem>> -> memref<64xf32, #tpu.memory_space<vmem>>
      %dma_start3A_195 = arith.constant 0 : i32
      %dma_start3A_196 = tpu.memref_slice %arg4[%squeeze3A, %dma_start3A_195] : memref<1000000x64xf32, #tpu.memory_space<hbm>> -> memref<1x64xf32, #tpu.memory_space<hbm>>
      %dma_start3A_197 = tpu.memref_squeeze %dma_start3A_196 : memref<1x64xf32, #tpu.memory_space<hbm>> -> memref<64xf32, #tpu.memory_space<hbm>>
      tpu.enqueue_dma source(%dma_start3A_197 : memref<64xf32, #tpu.memory_space<hbm>>) target(%dma_start3A_194 : memref<64xf32, #tpu.memory_space<vmem>>) target_semaphore(%arg9 : memref<!tpu.dma_semaphore, #tpu.memory_space<semaphore_mem>>)
      %mul3A_198 = arith.constant 8 : i32
      %mul3A_199 = arith.muli %scan3A_175, %mul3A_198 : i32
      %add3A_200 = arith.constant 1 : i32
      %add3A_201 = arith.addi %mul3A_199, %add3A_200 : i32
      %get3A_202 = arith.index_cast %add3A_201 : i32 to index
      %get3A_203 = tpu.vector_load %arg7[%get3A_202] {strides = array<i32>} : memref<528xi32, #tpu.memory_space<vmem>>, vector<16xi32>,
      %get3A_204 = vector.shape_cast %get3A_203 : vector<16xi32> to vector<16xi32>
      %slice3A_205 = vector.extract_strided_slice %get3A_204 {offsets = [0], sizes = [1], strides = [1]} : vector<16xi32> to vector<1xi32>
      %squeeze3A_206 = vector.extract %slice3A_205[0] : i32 from vector<1xi32>
      %mul3A_207 = arith.constant 8 : i32
      %mul3A_208 = arith.muli %scan3A_175, %mul3A_207 : i32
      %add3A_209 = arith.constant 1 : i32
      %add3A_210 = arith.addi %mul3A_208, %add3A_209 : i32
      %dma_start3A_211 = arith.constant 0 : i32
      %dma_start3A_212 = tpu.memref_slice %arg8[%add3A_210, %dma_start3A_211] : memref<512x64xf32, #tpu.memory_space<vmem>> -> memref<1x64xf32, #tpu.memory_space<vmem>>
      %dma_start3A_213 = tpu.memref_squeeze %dma_start3A_212 : memref<1x64xf32, #tpu.memory_space<vmem>> -> memref<64xf32, #tpu.memory_space<vmem>>
      %dma_start3A_214 = arith.constant 0 : i32
      %dma_start3A_215 = tpu.memref_slice %arg4[%squeeze3A_206, %dma_start3A_214] : memref<1000000x64xf32, #tpu.memory_space<hbm>> -> memref<1x64xf32, #tpu.memory_space<hbm>>
      %dma_start3A_216 = tpu.memref_squeeze %dma_start3A_215 : memref<1x64xf32, #tpu.memory_space<hbm>> -> memref<64xf32, #tpu.memory_space<hbm>>
      %dma_start3A_217 = arith.constant 0 : i32
      %dma_start3A_218 = tpu.memref_slice %arg8[%add3A_210, %dma_start3A_217] : memref<512x64xf32, #tpu.memory_space<vmem>> -> memref<1x64xf32, #tpu.memory_space<vmem>>
      %dma_start3A_219 = tpu.memref_squeeze %dma_start3A_218 : memref<1x64xf32, #tpu.memory_space<vmem>> -> memref<64xf32, #tpu.memory_space<vmem>>
      %dma_start3A_220 = arith.constant 0 : i32
      %dma_start3A_221 = tpu.memref_slice %arg4[%squeeze3A_206, %dma_start3A_220] : memref<1000000x64xf32, #tpu.memory_space<hbm>> -> memref<1x64xf32, #tpu.memory_space<hbm>>
      %dma_start3A_222 = tpu.memref_squeeze %dma_start3A_221 : memref<1x64xf32, #tpu.memory_space<hbm>> -> memref<64xf32, #tpu.memory_space<hbm>>
      tpu.enqueue_dma source(%dma_start3A_222 : memref<64xf32, #tpu.memory_space<hbm>>) target(%dma_start3A_219 : memref<64xf32, #tpu.memory_space<vmem>>) target_semaphore(%arg10 : memref<!tpu.dma_semaphore, #tpu.memory_space<semaphore_mem>>)
      %mul3A_223 = arith.constant 8 : i32
      %mul3A_224 = arith.muli %scan3A_175, %mul3A_223 : i32
      %add3A_225 = arith.constant 2 : i32
      %add3A_226 = arith.addi %mul3A_224, %add3A_225 : i32
      %get3A_227 = arith.index_cast %add3A_226 : i32 to index
      %get3A_228 = tpu.vector_load %arg7[%get3A_227] {strides = array<i32>} : memref<528xi32, #tpu.memory_space<vmem>>, vector<16xi32>,
      %get3A_229 = vector.shape_cast %get3A_228 : vector<16xi32> to vector<16xi32>
      %slice3A_230 = vector.extract_strided_slice %get3A_229 {offsets = [0], sizes = [1], strides = [1]} : vector<16xi32> to vector<1xi32>
      %squeeze3A_231 = vector.extract %slice3A_230[0] : i32 from vector<1xi32>
      %mul3A_232 = arith.constant 8 : i32
      %mul3A_233 = arith.muli %scan3A_175, %mul3A_232 : i32
      %add3A_234 = arith.constant 2 : i32
      %add3A_235 = arith.addi %mul3A_233, %add3A_234 : i32
      %dma_start3A_236 = arith.constant 0 : i32
      %dma_start3A_237 = tpu.memref_slice %arg8[%add3A_235, %dma_start3A_236] : memref<512x64xf32, #tpu.memory_space<vmem>> -> memref<1x64xf32, #tpu.memory_space<vmem>>
      %dma_start3A_238 = tpu.memref_squeeze %dma_start3A_237 : memref<1x64xf32, #tpu.memory_space<vmem>> -> memref<64xf32, #tpu.memory_space<vmem>>
      %dma_start3A_239 = arith.constant 0 : i32
      %dma_start3A_240 = tpu.memref_slice %arg4[%squeeze3A_231, %dma_start3A_239] : memref<1000000x64xf32, #tpu.memory_space<hbm>> -> memref<1x64xf32, #tpu.memory_space<hbm>>
      %dma_start3A_241 = tpu.memref_squeeze %dma_start3A_240 : memref<1x64xf32, #tpu.memory_space<hbm>> -> memref<64xf32, #tpu.memory_space<hbm>>
      %dma_start3A_242 = arith.constant 0 : i32
      %dma_start3A_243 = tpu.memref_slice %arg8[%add3A_235, %dma_start3A_242] : memref<512x64xf32, #tpu.memory_space<vmem>> -> memref<1x64xf32, #tpu.memory_space<vmem>>
      %dma_start3A_244 = tpu.memref_squeeze %dma_start3A_243 : memref<1x64xf32, #tpu.memory_space<vmem>> -> memref<64xf32, #tpu.memory_space<vmem>>
      %dma_start3A_245 = arith.constant 0 : i32
      %dma_start3A_246 = tpu.memref_slice %arg4[%squeeze3A_231, %dma_start3A_245] : memref<1000000x64xf32, #tpu.memory_space<hbm>> -> memref<1x64xf32, #tpu.memory_space<hbm>>
      %dma_start3A_247 = tpu.memref_squeeze %dma_start3A_246 : memref<1x64xf32, #tpu.memory_space<hbm>> -> memref<64xf32, #tpu.memory_space<hbm>>
      tpu.enqueue_dma source(%dma_start3A_247 : memref<64xf32, #tpu.memory_space<hbm>>) target(%dma_start3A_244 : memref<64xf32, #tpu.memory_space<vmem>>) target_semaphore(%arg11 : memref<!tpu.dma_semaphore, #tpu.memory_space<semaphore_mem>>)
      %mul3A_248 = arith.constant 8 : i32
      %mul3A_249 = arith.muli %scan3A_175, %mul3A_248 : i32
      %add3A_250 = arith.constant 3 : i32
      %add3A_251 = arith.addi %mul3A_249, %add3A_250 : i32
      %get3A_252 = arith.index_cast %add3A_251 : i32 to index
      %get3A_253 = tpu.vector_load %arg7[%get3A_252] {strides = array<i32>} : memref<528xi32, #tpu.memory_space<vmem>>, vector<16xi32>,
      %get3A_254 = vector.shape_cast %get3A_253 : vector<16xi32> to vector<16xi32>
      %slice3A_255 = vector.extract_strided_slice %get3A_254 {offsets = [0], sizes = [1], strides = [1]} : vector<16xi32> to vector<1xi32>
      %squeeze3A_256 = vector.extract %slice3A_255[0] : i32 from vector<1xi32>
      %mul3A_257 = arith.constant 8 : i32
      %mul3A_258 = arith.muli %scan3A_175, %mul3A_257 : i32
      %add3A_259 = arith.constant 3 : i32
      %add3A_260 = arith.addi %mul3A_258, %add3A_259 : i32
      %dma_start3A_261 = arith.constant 0 : i32
      %dma_start3A_262 = tpu.memref_slice %arg8[%add3A_260, %dma_start3A_261] : memref<512x64xf32, #tpu.memory_space<vmem>> -> memref<1x64xf32, #tpu.memory_space<vmem>>
      %dma_start3A_263 = tpu.memref_squeeze %dma_start3A_262 : memref<1x64xf32, #tpu.memory_space<vmem>> -> memref<64xf32, #tpu.memory_space<vmem>>
      %dma_start3A_264 = arith.constant 0 : i32
      %dma_start3A_265 = tpu.memref_slice %arg4[%squeeze3A_256, %dma_start3A_264] : memref<1000000x64xf32, #tpu.memory_space<hbm>> -> memref<1x64xf32, #tpu.memory_space<hbm>>
      %dma_start3A_266 = tpu.memref_squeeze %dma_start3A_265 : memref<1x64xf32, #tpu.memory_space<hbm>> -> memref<64xf32, #tpu.memory_space<hbm>>
      %dma_start3A_267 = arith.constant 0 : i32
      %dma_start3A_268 = tpu.memref_slice %arg8[%add3A_260, %dma_start3A_267] : memref<512x64xf32, #tpu.memory_space<vmem>> -> memref<1x64xf32, #tpu.memory_space<vmem>>
      %dma_start3A_269 = tpu.memref_squeeze %dma_start3A_268 : memref<1x64xf32, #tpu.memory_space<vmem>> -> memref<64xf32, #tpu.memory_space<vmem>>
      %dma_start3A_270 = arith.constant 0 : i32
      %dma_start3A_271 = tpu.memref_slice %arg4[%squeeze3A_256, %dma_start3A_270] : memref<1000000x64xf32, #tpu.memory_space<hbm>> -> memref<1x64xf32, #tpu.memory_space<hbm>>
      %dma_start3A_272 = tpu.memref_squeeze %dma_start3A_271 : memref<1x64xf32, #tpu.memory_space<hbm>> -> memref<64xf32, #tpu.memory_space<hbm>>
      tpu.enqueue_dma source(%dma_start3A_272 : memref<64xf32, #tpu.memory_space<hbm>>) target(%dma_start3A_269 : memref<64xf32, #tpu.memory_space<vmem>>) target_semaphore(%arg12 : memref<!tpu.dma_semaphore, #tpu.memory_space<semaphore_mem>>)
      %mul3A_273 = arith.constant 8 : i32
      %mul3A_274 = arith.muli %scan3A_175, %mul3A_273 : i32
      %add3A_275 = arith.constant 4 : i32
      %add3A_276 = arith.addi %mul3A_274, %add3A_275 : i32
      %get3A_277 = arith.index_cast %add3A_276 : i32 to index
      %get3A_278 = tpu.vector_load %arg7[%get3A_277] {strides = array<i32>} : memref<528xi32, #tpu.memory_space<vmem>>, vector<16xi32>,
      %get3A_279 = vector.shape_cast %get3A_278 : vector<16xi32> to vector<16xi32>
      %slice3A_280 = vector.extract_strided_slice %get3A_279 {offsets = [0], sizes = [1], strides = [1]} : vector<16xi32> to vector<1xi32>
      %squeeze3A_281 = vector.extract %slice3A_280[0] : i32 from vector<1xi32>
      %mul3A_282 = arith.constant 8 : i32
      %mul3A_283 = arith.muli %scan3A_175, %mul3A_282 : i32
      %add3A_284 = arith.constant 4 : i32
      %add3A_285 = arith.addi %mul3A_283, %add3A_284 : i32
      %dma_start3A_286 = arith.constant 0 : i32
      %dma_start3A_287 = tpu.memref_slice %arg8[%add3A_285, %dma_start3A_286] : memref<512x64xf32, #tpu.memory_space<vmem>> -> memref<1x64xf32, #tpu.memory_space<vmem>>
      %dma_start3A_288 = tpu.memref_squeeze %dma_start3A_287 : memref<1x64xf32, #tpu.memory_space<vmem>> -> memref<64xf32, #tpu.memory_space<vmem>>
      %dma_start3A_289 = arith.constant 0 : i32
      %dma_start3A_290 = tpu.memref_slice %arg4[%squeeze3A_281, %dma_start3A_289] : memref<1000000x64xf32, #tpu.memory_space<hbm>> -> memref<1x64xf32, #tpu.memory_space<hbm>>
      %dma_start3A_291 = tpu.memref_squeeze %dma_start3A_290 : memref<1x64xf32, #tpu.memory_space<hbm>> -> memref<64xf32, #tpu.memory_space<hbm>>
      %dma_start3A_292 = arith.constant 0 : i32
      %dma_start3A_293 = tpu.memref_slice %arg8[%add3A_285, %dma_start3A_292] : memref<512x64xf32, #tpu.memory_space<vmem>> -> memref<1x64xf32, #tpu.memory_space<vmem>>
      %dma_start3A_294 = tpu.memref_squeeze %dma_start3A_293 : memref<1x64xf32, #tpu.memory_space<vmem>> -> memref<64xf32, #tpu.memory_space<vmem>>
      %dma_start3A_295 = arith.constant 0 : i32
      %dma_start3A_296 = tpu.memref_slice %arg4[%squeeze3A_281, %dma_start3A_295] : memref<1000000x64xf32, #tpu.memory_space<hbm>> -> memref<1x64xf32, #tpu.memory_space<hbm>>
      %dma_start3A_297 = tpu.memref_squeeze %dma_start3A_296 : memref<1x64xf32, #tpu.memory_space<hbm>> -> memref<64xf32, #tpu.memory_space<hbm>>
      tpu.enqueue_dma source(%dma_start3A_297 : memref<64xf32, #tpu.memory_space<hbm>>) target(%dma_start3A_294 : memref<64xf32, #tpu.memory_space<vmem>>) target_semaphore(%arg13 : memref<!tpu.dma_semaphore, #tpu.memory_space<semaphore_mem>>)
      %mul3A_298 = arith.constant 8 : i32
      %mul3A_299 = arith.muli %scan3A_175, %mul3A_298 : i32
      %add3A_300 = arith.constant 5 : i32
      %add3A_301 = arith.addi %mul3A_299, %add3A_300 : i32
      %get3A_302 = arith.index_cast %add3A_301 : i32 to index
      %get3A_303 = tpu.vector_load %arg7[%get3A_302] {strides = array<i32>} : memref<528xi32, #tpu.memory_space<vmem>>, vector<16xi32>,
      %get3A_304 = vector.shape_cast %get3A_303 : vector<16xi32> to vector<16xi32>
      %slice3A_305 = vector.extract_strided_slice %get3A_304 {offsets = [0], sizes = [1], strides = [1]} : vector<16xi32> to vector<1xi32>
      %squeeze3A_306 = vector.extract %slice3A_305[0] : i32 from vector<1xi32>
      %mul3A_307 = arith.constant 8 : i32
      %mul3A_308 = arith.muli %scan3A_175, %mul3A_307 : i32
      %add3A_309 = arith.constant 5 : i32
      %add3A_310 = arith.addi %mul3A_308, %add3A_309 : i32
      %dma_start3A_311 = arith.constant 0 : i32
      %dma_start3A_312 = tpu.memref_slice %arg8[%add3A_310, %dma_start3A_311] : memref<512x64xf32, #tpu.memory_space<vmem>> -> memref<1x64xf32, #tpu.memory_space<vmem>>
      %dma_start3A_313 = tpu.memref_squeeze %dma_start3A_312 : memref<1x64xf32, #tpu.memory_space<vmem>> -> memref<64xf32, #tpu.memory_space<vmem>>
      %dma_start3A_314 = arith.constant 0 : i32
      %dma_start3A_315 = tpu.memref_slice %arg4[%squeeze3A_306, %dma_start3A_314] : memref<1000000x64xf32, #tpu.memory_space<hbm>> -> memref<1x64xf32, #tpu.memory_space<hbm>>
      %dma_start3A_316 = tpu.memref_squeeze %dma_start3A_315 : memref<1x64xf32, #tpu.memory_space<hbm>> -> memref<64xf32, #tpu.memory_space<hbm>>
      %dma_start3A_317 = arith.constant 0 : i32
      %dma_start3A_318 = tpu.memref_slice %arg8[%add3A_310, %dma_start3A_317] : memref<512x64xf32, #tpu.memory_space<vmem>> -> memref<1x64xf32, #tpu.memory_space<vmem>>
      %dma_start3A_319 = tpu.memref_squeeze %dma_start3A_318 : memref<1x64xf32, #tpu.memory_space<vmem>> -> memref<64xf32, #tpu.memory_space<vmem>>
      %dma_start3A_320 = arith.constant 0 : i32
      %dma_start3A_321 = tpu.memref_slice %arg4[%squeeze3A_306, %dma_start3A_320] : memref<1000000x64xf32, #tpu.memory_space<hbm>> -> memref<1x64xf32, #tpu.memory_space<hbm>>
      %dma_start3A_322 = tpu.memref_squeeze %dma_start3A_321 : memref<1x64xf32, #tpu.memory_space<hbm>> -> memref<64xf32, #tpu.memory_space<hbm>>
      tpu.enqueue_dma source(%dma_start3A_322 : memref<64xf32, #tpu.memory_space<hbm>>) target(%dma_start3A_319 : memref<64xf32, #tpu.memory_space<vmem>>) target_semaphore(%arg14 : memref<!tpu.dma_semaphore, #tpu.memory_space<semaphore_mem>>)
      %mul3A_323 = arith.constant 8 : i32
      %mul3A_324 = arith.muli %scan3A_175, %mul3A_323 : i32
      %add3A_325 = arith.constant 6 : i32
      %add3A_326 = arith.addi %mul3A_324, %add3A_325 : i32
      %get3A_327 = arith.index_cast %add3A_326 : i32 to index
      %get3A_328 = tpu.vector_load %arg7[%get3A_327] {strides = array<i32>} : memref<528xi32, #tpu.memory_space<vmem>>, vector<16xi32>,
      %get3A_329 = vector.shape_cast %get3A_328 : vector<16xi32> to vector<16xi32>
      %slice3A_330 = vector.extract_strided_slice %get3A_329 {offsets = [0], sizes = [1], strides = [1]} : vector<16xi32> to vector<1xi32>
      %squeeze3A_331 = vector.extract %slice3A_330[0] : i32 from vector<1xi32>
      %mul3A_332 = arith.constant 8 : i32
      %mul3A_333 = arith.muli %scan3A_175, %mul3A_332 : i32
      %add3A_334 = arith.constant 6 : i32
      %add3A_335 = arith.addi %mul3A_333, %add3A_334 : i32
      %dma_start3A_336 = arith.constant 0 : i32
      %dma_start3A_337 = tpu.memref_slice %arg8[%add3A_335, %dma_start3A_336] : memref<512x64xf32, #tpu.memory_space<vmem>> -> memref<1x64xf32, #tpu.memory_space<vmem>>
      %dma_start3A_338 = tpu.memref_squeeze %dma_start3A_337 : memref<1x64xf32, #tpu.memory_space<vmem>> -> memref<64xf32, #tpu.memory_space<vmem>>
      %dma_start3A_339 = arith.constant 0 : i32
      %dma_start3A_340 = tpu.memref_slice %arg4[%squeeze3A_331, %dma_start3A_339] : memref<1000000x64xf32, #tpu.memory_space<hbm>> -> memref<1x64xf32, #tpu.memory_space<hbm>>
      %dma_start3A_341 = tpu.memref_squeeze %dma_start3A_340 : memref<1x64xf32, #tpu.memory_space<hbm>> -> memref<64xf32, #tpu.memory_space<hbm>>
      %dma_start3A_342 = arith.constant 0 : i32
      %dma_start3A_343 = tpu.memref_slice %arg8[%add3A_335, %dma_start3A_342] : memref<512x64xf32, #tpu.memory_space<vmem>> -> memref<1x64xf32, #tpu.memory_space<vmem>>
      %dma_start3A_344 = tpu.memref_squeeze %dma_start3A_343 : memref<1x64xf32, #tpu.memory_space<vmem>> -> memref<64xf32, #tpu.memory_space<vmem>>
      %dma_start3A_345 = arith.constant 0 : i32
      %dma_start3A_346 = tpu.memref_slice %arg4[%squeeze3A_331, %dma_start3A_345] : memref<1000000x64xf32, #tpu.memory_space<hbm>> -> memref<1x64xf32, #tpu.memory_space<hbm>>
      %dma_start3A_347 = tpu.memref_squeeze %dma_start3A_346 : memref<1x64xf32, #tpu.memory_space<hbm>> -> memref<64xf32, #tpu.memory_space<hbm>>
      tpu.enqueue_dma source(%dma_start3A_347 : memref<64xf32, #tpu.memory_space<hbm>>) target(%dma_start3A_344 : memref<64xf32, #tpu.memory_space<vmem>>) target_semaphore(%arg15 : memref<!tpu.dma_semaphore, #tpu.memory_space<semaphore_mem>>)
      %mul3A_348 = arith.constant 8 : i32
      %mul3A_349 = arith.muli %scan3A_175, %mul3A_348 : i32
      %add3A_350 = arith.constant 7 : i32
      %add3A_351 = arith.addi %mul3A_349, %add3A_350 : i32
      %get3A_352 = arith.index_cast %add3A_351 : i32 to index
      %get3A_353 = tpu.vector_load %arg7[%get3A_352] {strides = array<i32>} : memref<528xi32, #tpu.memory_space<vmem>>, vector<16xi32>,
      %get3A_354 = vector.shape_cast %get3A_353 : vector<16xi32> to vector<16xi32>
      %slice3A_355 = vector.extract_strided_slice %get3A_354 {offsets = [0], sizes = [1], strides = [1]} : vector<16xi32> to vector<1xi32>
      %squeeze3A_356 = vector.extract %slice3A_355[0] : i32 from vector<1xi32>
      %mul3A_357 = arith.constant 8 : i32
      %mul3A_358 = arith.muli %scan3A_175, %mul3A_357 : i32
      %add3A_359 = arith.constant 7 : i32
      %add3A_360 = arith.addi %mul3A_358, %add3A_359 : i32
      %dma_start3A_361 = arith.constant 0 : i32
      %dma_start3A_362 = tpu.memref_slice %arg8[%add3A_360, %dma_start3A_361] : memref<512x64xf32, #tpu.memory_space<vmem>> -> memref<1x64xf32, #tpu.memory_space<vmem>>
      %dma_start3A_363 = tpu.memref_squeeze %dma_start3A_362 : memref<1x64xf32, #tpu.memory_space<vmem>> -> memref<64xf32, #tpu.memory_space<vmem>>
      %dma_start3A_364 = arith.constant 0 : i32
      %dma_start3A_365 = tpu.memref_slice %arg4[%squeeze3A_356, %dma_start3A_364] : memref<1000000x64xf32, #tpu.memory_space<hbm>> -> memref<1x64xf32, #tpu.memory_space<hbm>>
      %dma_start3A_366 = tpu.memref_squeeze %dma_start3A_365 : memref<1x64xf32, #tpu.memory_space<hbm>> -> memref<64xf32, #tpu.memory_space<hbm>>
      %dma_start3A_367 = arith.constant 0 : i32
      %dma_start3A_368 = tpu.memref_slice %arg8[%add3A_360, %dma_start3A_367] : memref<512x64xf32, #tpu.memory_space<vmem>> -> memref<1x64xf32, #tpu.memory_space<vmem>>
      %dma_start3A_369 = tpu.memref_squeeze %dma_start3A_368 : memref<1x64xf32, #tpu.memory_space<vmem>> -> memref<64xf32, #tpu.memory_space<vmem>>
      %dma_start3A_370 = arith.constant 0 : i32
      %dma_start3A_371 = tpu.memref_slice %arg4[%squeeze3A_356, %dma_start3A_370] : memref<1000000x64xf32, #tpu.memory_space<hbm>> -> memref<1x64xf32, #tpu.memory_space<hbm>>
      %dma_start3A_372 = tpu.memref_squeeze %dma_start3A_371 : memref<1x64xf32, #tpu.memory_space<hbm>> -> memref<64xf32, #tpu.memory_space<hbm>>
      tpu.enqueue_dma source(%dma_start3A_372 : memref<64xf32, #tpu.memory_space<hbm>>) target(%dma_start3A_369 : memref<64xf32, #tpu.memory_space<vmem>>) target_semaphore(%arg16 : memref<!tpu.dma_semaphore, #tpu.memory_space<semaphore_mem>>)
      %scan3A_373 = arith.constant 0 : i32
      scf.yield %scan3A_373 : i32
    }
    %scan3A_94 = arith.constant 64 : i32
    %dma_wait3A_95 = arith.constant 0 : i32
    %dma_wait3A_96 = arith.constant 0 : i32
    %dma_wait3A_97 = tpu.memref_slice %arg8[%dma_wait3A_95, %dma_wait3A_96] : memref<512x64xf32, #tpu.memory_space<vmem>> -> memref<64x64xf32, #tpu.memory_space<vmem>>
    %dma_wait3A_98 = arith.constant 0 : i32
    %dma_wait3A_99 = tpu.memref_slice %arg6[%mul3A_2, %dma_wait3A_98] : memref<16384x64xf32, #tpu.memory_space<hbm>> -> memref<64x64xf32, #tpu.memory_space<hbm>>
    %dma_wait3A_100 = arith.constant 0 : i32
    %dma_wait3A_101 = arith.constant 0 : i32
    %dma_wait3A_102 = tpu.memref_slice %arg8[%dma_wait3A_100, %dma_wait3A_101] : memref<512x64xf32, #tpu.memory_space<vmem>> -> memref<64x64xf32, #tpu.memory_space<vmem>>
    %dma_wait3A_103 = arith.constant 0 : i32
    %dma_wait3A_104 = tpu.memref_slice %arg6[%mul3A_2, %dma_wait3A_103] : memref<16384x64xf32, #tpu.memory_space<hbm>> -> memref<64x64xf32, #tpu.memory_space<hbm>>
    tpu.wait_dma2 semaphore(%arg9 : memref<!tpu.dma_semaphore, #tpu.memory_space<semaphore_mem>>) src(%dma_wait3A_104 : memref<64x64xf32, #tpu.memory_space<hbm>>) dst(%dma_wait3A_102 : memref<64x64xf32, #tpu.memory_space<vmem>>)
    %dma_wait3A_105 = arith.constant 0 : i32
    %dma_wait3A_106 = arith.constant 0 : i32
    %dma_wait3A_107 = tpu.memref_slice %arg8[%dma_wait3A_105, %dma_wait3A_106] : memref<512x64xf32, #tpu.memory_space<vmem>> -> memref<64x64xf32, #tpu.memory_space<vmem>>
    %dma_wait3A_108 = arith.constant 0 : i32
    %dma_wait3A_109 = tpu.memref_slice %arg6[%mul3A_2, %dma_wait3A_108] : memref<16384x64xf32, #tpu.memory_space<hbm>> -> memref<64x64xf32, #tpu.memory_space<hbm>>
    %dma_wait3A_110 = arith.constant 0 : i32
    %dma_wait3A_111 = arith.constant 0 : i32
    %dma_wait3A_112 = tpu.memref_slice %arg8[%dma_wait3A_110, %dma_wait3A_111] : memref<512x64xf32, #tpu.memory_space<vmem>> -> memref<64x64xf32, #tpu.memory_space<vmem>>
    %dma_wait3A_113 = arith.constant 0 : i32
    %dma_wait3A_114 = tpu.memref_slice %arg6[%mul3A_2, %dma_wait3A_113] : memref<16384x64xf32, #tpu.memory_space<hbm>> -> memref<64x64xf32, #tpu.memory_space<hbm>>
    tpu.wait_dma2 semaphore(%arg10 : memref<!tpu.dma_semaphore, #tpu.memory_space<semaphore_mem>>) src(%dma_wait3A_114 : memref<64x64xf32, #tpu.memory_space<hbm>>) dst(%dma_wait3A_112 : memref<64x64xf32, #tpu.memory_space<vmem>>)
    %dma_wait3A_115 = arith.constant 0 : i32
    %dma_wait3A_116 = arith.constant 0 : i32
    %dma_wait3A_117 = tpu.memref_slice %arg8[%dma_wait3A_115, %dma_wait3A_116] : memref<512x64xf32, #tpu.memory_space<vmem>> -> memref<64x64xf32, #tpu.memory_space<vmem>>
    %dma_wait3A_118 = arith.constant 0 : i32
    %dma_wait3A_119 = tpu.memref_slice %arg6[%mul3A_2, %dma_wait3A_118] : memref<16384x64xf32, #tpu.memory_space<hbm>> -> memref<64x64xf32, #tpu.memory_space<hbm>>
    %dma_wait3A_120 = arith.constant 0 : i32
    %dma_wait3A_121 = arith.constant 0 : i32
    %dma_wait3A_122 = tpu.memref_slice %arg8[%dma_wait3A_120, %dma_wait3A_121] : memref<512x64xf32, #tpu.memory_space<vmem>> -> memref<64x64xf32, #tpu.memory_space<vmem>>
    %dma_wait3A_123 = arith.constant 0 : i32
    %dma_wait3A_124 = tpu.memref_slice %arg6[%mul3A_2, %dma_wait3A_123] : memref<16384x64xf32, #tpu.memory_space<hbm>> -> memref<64x64xf32, #tpu.memory_space<hbm>>
    tpu.wait_dma2 semaphore(%arg11 : memref<!tpu.dma_semaphore, #tpu.memory_space<semaphore_mem>>) src(%dma_wait3A_124 : memref<64x64xf32, #tpu.memory_space<hbm>>) dst(%dma_wait3A_122 : memref<64x64xf32, #tpu.memory_space<vmem>>)
    %dma_wait3A_125 = arith.constant 0 : i32
    %dma_wait3A_126 = arith.constant 0 : i32
    %dma_wait3A_127 = tpu.memref_slice %arg8[%dma_wait3A_125, %dma_wait3A_126] : memref<512x64xf32, #tpu.memory_space<vmem>> -> memref<64x64xf32, #tpu.memory_space<vmem>>
    %dma_wait3A_128 = arith.constant 0 : i32
    %dma_wait3A_129 = tpu.memref_slice %arg6[%mul3A_2, %dma_wait3A_128] : memref<16384x64xf32, #tpu.memory_space<hbm>> -> memref<64x64xf32, #tpu.memory_space<hbm>>
    %dma_wait3A_130 = arith.constant 0 : i32
    %dma_wait3A_131 = arith.constant 0 : i32
    %dma_wait3A_132 = tpu.memref_slice %arg8[%dma_wait3A_130, %dma_wait3A_131] : memref<512x64xf32, #tpu.memory_space<vmem>> -> memref<64x64xf32, #tpu.memory_space<vmem>>
    %dma_wait3A_133 = arith.constant 0 : i32
    %dma_wait3A_134 = tpu.memref_slice %arg6[%mul3A_2, %dma_wait3A_133] : memref<16384x64xf32, #tpu.memory_space<hbm>> -> memref<64x64xf32, #tpu.memory_space<hbm>>
    tpu.wait_dma2 semaphore(%arg12 : memref<!tpu.dma_semaphore, #tpu.memory_space<semaphore_mem>>) src(%dma_wait3A_134 : memref<64x64xf32, #tpu.memory_space<hbm>>) dst(%dma_wait3A_132 : memref<64x64xf32, #tpu.memory_space<vmem>>)
    %dma_wait3A_135 = arith.constant 0 : i32
    %dma_wait3A_136 = arith.constant 0 : i32
    %dma_wait3A_137 = tpu.memref_slice %arg8[%dma_wait3A_135, %dma_wait3A_136] : memref<512x64xf32, #tpu.memory_space<vmem>> -> memref<64x64xf32, #tpu.memory_space<vmem>>
    %dma_wait3A_138 = arith.constant 0 : i32
    %dma_wait3A_139 = tpu.memref_slice %arg6[%mul3A_2, %dma_wait3A_138] : memref<16384x64xf32, #tpu.memory_space<hbm>> -> memref<64x64xf32, #tpu.memory_space<hbm>>
    %dma_wait3A_140 = arith.constant 0 : i32
    %dma_wait3A_141 = arith.constant 0 : i32
    %dma_wait3A_142 = tpu.memref_slice %arg8[%dma_wait3A_140, %dma_wait3A_141] : memref<512x64xf32, #tpu.memory_space<vmem>> -> memref<64x64xf32, #tpu.memory_space<vmem>>
    %dma_wait3A_143 = arith.constant 0 : i32
    %dma_wait3A_144 = tpu.memref_slice %arg6[%mul3A_2, %dma_wait3A_143] : memref<16384x64xf32, #tpu.memory_space<hbm>> -> memref<64x64xf32, #tpu.memory_space<hbm>>
    tpu.wait_dma2 semaphore(%arg13 : memref<!tpu.dma_semaphore, #tpu.memory_space<semaphore_mem>>) src(%dma_wait3A_144 : memref<64x64xf32, #tpu.memory_space<hbm>>) dst(%dma_wait3A_142 : memref<64x64xf32, #tpu.memory_space<vmem>>)
    %dma_wait3A_145 = arith.constant 0 : i32
    %dma_wait3A_146 = arith.constant 0 : i32
    %dma_wait3A_147 = tpu.memref_slice %arg8[%dma_wait3A_145, %dma_wait3A_146] : memref<512x64xf32, #tpu.memory_space<vmem>> -> memref<64x64xf32, #tpu.memory_space<vmem>>
    %dma_wait3A_148 = arith.constant 0 : i32
    %dma_wait3A_149 = tpu.memref_slice %arg6[%mul3A_2, %dma_wait3A_148] : memref<16384x64xf32, #tpu.memory_space<hbm>> -> memref<64x64xf32, #tpu.memory_space<hbm>>
    %dma_wait3A_150 = arith.constant 0 : i32
    %dma_wait3A_151 = arith.constant 0 : i32
    %dma_wait3A_152 = tpu.memref_slice %arg8[%dma_wait3A_150, %dma_wait3A_151] : memref<512x64xf32, #tpu.memory_space<vmem>> -> memref<64x64xf32, #tpu.memory_space<vmem>>
    %dma_wait3A_153 = arith.constant 0 : i32
    %dma_wait3A_154 = tpu.memref_slice %arg6[%mul3A_2, %dma_wait3A_153] : memref<16384x64xf32, #tpu.memory_space<hbm>> -> memref<64x64xf32, #tpu.memory_space<hbm>>
    tpu.wait_dma2 semaphore(%arg14 : memref<!tpu.dma_semaphore, #tpu.memory_space<semaphore_mem>>) src(%dma_wait3A_154 : memref<64x64xf32, #tpu.memory_space<hbm>>) dst(%dma_wait3A_152 : memref<64x64xf32, #tpu.memory_space<vmem>>)
    %dma_wait3A_155 = arith.constant 0 : i32
    %dma_wait3A_156 = arith.constant 0 : i32
    %dma_wait3A_157 = tpu.memref_slice %arg8[%dma_wait3A_155, %dma_wait3A_156] : memref<512x64xf32, #tpu.memory_space<vmem>> -> memref<64x64xf32, #tpu.memory_space<vmem>>
    %dma_wait3A_158 = arith.constant 0 : i32
    %dma_wait3A_159 = tpu.memref_slice %arg6[%mul3A_2, %dma_wait3A_158] : memref<16384x64xf32, #tpu.memory_space<hbm>> -> memref<64x64xf32, #tpu.memory_space<hbm>>
    %dma_wait3A_160 = arith.constant 0 : i32
    %dma_wait3A_161 = arith.constant 0 : i32
    %dma_wait3A_162 = tpu.memref_slice %arg8[%dma_wait3A_160, %dma_wait3A_161] : memref<512x64xf32, #tpu.memory_space<vmem>> -> memref<64x64xf32, #tpu.memory_space<vmem>>
    %dma_wait3A_163 = arith.constant 0 : i32
    %dma_wait3A_164 = tpu.memref_slice %arg6[%mul3A_2, %dma_wait3A_163] : memref<16384x64xf32, #tpu.memory_space<hbm>> -> memref<64x64xf32, #tpu.memory_space<hbm>>
    tpu.wait_dma2 semaphore(%arg15 : memref<!tpu.dma_semaphore, #tpu.memory_space<semaphore_mem>>) src(%dma_wait3A_164 : memref<64x64xf32, #tpu.memory_space<hbm>>) dst(%dma_wait3A_162 : memref<64x64xf32, #tpu.memory_space<vmem>>)
    %dma_wait3A_165 = arith.constant 0 : i32
    %dma_wait3A_166 = arith.constant 0 : i32
    %dma_wait3A_167 = tpu.memref_slice %arg8[%dma_wait3A_165, %dma_wait3A_166] : memref<512x64xf32, #tpu.memory_space<vmem>> -> memref<64x64xf32, #tpu.memory_space<vmem>>
    %dma_wait3A_168 = arith.constant 0 : i32
    %dma_wait3A_169 = tpu.memref_slice %arg6[%mul3A_2, %dma_wait3A_168] : memref<16384x64xf32, #tpu.memory_space<hbm>> -> memref<64x64xf32, #tpu.memory_space<hbm>>
    %dma_wait3A_170 = arith.constant 0 : i32
    %dma_wait3A_171 = arith.constant 0 : i32
    %dma_wait3A_172 = tpu.memref_slice %arg8[%dma_wait3A_170, %dma_wait3A_171] : memref<512x64xf32, #tpu.memory_space<vmem>> -> memref<64x64xf32, #tpu.memory_space<vmem>>
    %dma_wait3A_173 = arith.constant 0 : i32
    %dma_wait3A_174 = tpu.memref_slice %arg6[%mul3A_2, %dma_wait3A_173] : memref<16384x64xf32, #tpu.memory_space<hbm>> -> memref<64x64xf32, #tpu.memory_space<hbm>>
    tpu.wait_dma2 semaphore(%arg16 : memref<!tpu.dma_semaphore, #tpu.memory_space<semaphore_mem>>) src(%dma_wait3A_174 : memref<64x64xf32, #tpu.memory_space<hbm>>) dst(%dma_wait3A_172 : memref<64x64xf32, #tpu.memory_space<vmem>>)
    "tpu.region"() ({
      %run_scoped3A = tpu.sem_alloc : memref<!tpu.dma_semaphore, #tpu.memory_space<semaphore_mem>>
      %dma_start3A = arith.constant 0 : i32
      %dma_start3A_175 = tpu.memref_slice %arg6[%mul3A_2, %dma_start3A] : memref<16384x64xf32, #tpu.memory_space<hbm>> -> memref<512x64xf32, #tpu.memory_space<hbm>>
      %dma_start3A_176 = arith.constant 0 : i32
      %dma_start3A_177 = tpu.memref_slice %arg6[%mul3A_2, %dma_start3A_176] : memref<16384x64xf32, #tpu.memory_space<hbm>> -> memref<512x64xf32, #tpu.memory_space<hbm>>
      tpu.enqueue_dma source(%arg8 : memref<512x64xf32, #tpu.memory_space<vmem>>) target(%dma_start3A_177 : memref<512x64xf32, #tpu.memory_space<hbm>>) target_semaphore(%run_scoped3A : memref<!tpu.dma_semaphore, #tpu.memory_space<semaphore_mem>>)
      %dma_wait3A_178 = arith.constant 0 : i32
      %dma_wait3A_179 = tpu.memref_slice %arg6[%mul3A_2, %dma_wait3A_178] : memref<16384x64xf32, #tpu.memory_space<hbm>> -> memref<512x64xf32, #tpu.memory_space<hbm>>
      %dma_wait3A_180 = arith.constant 0 : i32
      %dma_wait3A_181 = tpu.memref_slice %arg6[%mul3A_2, %dma_wait3A_180] : memref<16384x64xf32, #tpu.memory_space<hbm>> -> memref<512x64xf32, #tpu.memory_space<hbm>>
      tpu.wait_dma2 semaphore(%run_scoped3A : memref<!tpu.dma_semaphore, #tpu.memory_space<semaphore_mem>>) src(%arg8 : memref<512x64xf32, #tpu.memory_space<vmem>>) dst(%dma_wait3A_181 : memref<512x64xf32, #tpu.memory_space<hbm>>)
      tpu.yield
    }) : () -> ()
    return
  }
}

</mosaic_0001>

<sc_bundles>
// kernel: kernel.3.cloned.1.call-start
scs
__scs_entry_jumppad:
0x0: {  	(pc) =	sbr.rel $0x88, $3  }
0x1: {  	(tag) =	ssettag $0x0;
	lr =	simm.s32 $0x1  }
0x2: {  	[smem:$0x3F9E] =	sst lr;
	_ =	strace $0xD0000000  }
0x3: {  	_ = 	snop  }
0x4: {  	_ = 	snop  }
0x5: {  	_ = 	snop  }
0x6: {  	_ = 	snop  }
0x7: {  	_ = 	snop  }
__scs_overlays_trampoline_lowered:
0x8: {  	[smem:$0x3FAD] =	sst s0  }
0x9: {  	[smem:$0x3FAE] =	sst s1  }
0xa: {  	[smem:$0x3FAF] =	sst s2  }
0xb: {  	[smem:$0x3FB0] =	sst s3  }
0xc: {  	[smem:$0x3FB1] =	sst s4  }
0xd: {  	[smem:$0x3FB2] =	sst s5  }
0xe: {  	[smem:$0x3FB3] =	sst s6  }
0xf: {  	[smem:$0x3FB4] =	sst s7  }
0x10: {  	[smem:$0x3FB5] =	sst s8  }
0x11: {  	[smem:$0x3FB6] =	sst s9;
	s0 =	simm.s32 @!p0 $0x0  }
0x12: {  	s1 =	sld [smem:$0x3F9C];
	s0 =	simm.s32 @p0 $0x1  }
0x13: {  	[smem:$0x3FB7] =	sst s0;
	s0 =	simm.s32 @!p1 $0x0  }
0x14: {  	s2 =	sld [smem:$0x3F9B];
	s0 =	simm.s32 @p1 $0x1  }
0x15: {  	[smem:$0x3FB8] =	sst s0;
	s0 =	simm.s32 @!p2 $0x0  }
0x16: {  	s3 =	sld [smem:$0x3FDB];
	s0 =	simm.s32 @p2 $0x1  }
0x17: {  	s4 =	simm.s32 $0x1BF5;
	[smem:$0x3FBA] =	sst s0  }
0x18: {  	s0 =	sld [smem:$0x3F9D];
	_ =	swait.ge [sflag:s4], $0x0  }
0x19: {  	s7 =	sld [smem:$0x3F9E]  }
0x1a: {  	s8 =	sadd.s32 $0xFFFFE003, lr  }
0x1b: {  	s9 =	sadd.s32 $0xFFFFFEF7, lr;
	s5 =	simm.s32 $0xFFFFFFFF;
	p2 =	slt.u32 s8, $0xFFFFF086  }
0x1c: {  	p1 =	slt.u32 s9, $0xF7A;
	s5 =	simm.s32 @!p2 $0x0  }
0x1d: {  	s5 =	simm.s32 @p1 $0x1;
	p0 =	seq.s32 s7, s2  }
0x1e: {  	s7 =	smul.u32 @!p0 $0xF7A, s2;
	p2 =	seq.s32 @!p0 s5, $0x0  }
0x1f: {  	s9 =	smul.u32 $0xF7A, s1;
	s8 =	simm.s32 @!p0 $0x1BF5;
	p2 =	por !p2, p0  }
0x20: {  	[sflag:s8] =	ssyncset.s32 @!p0 $0xFFFFF086;
	s6 =	sadd.s32 @!p0 s3, s7;
	s7 =	simm.s32 @!p0 $0x108  }
0x21: {  	s3 =	sadd.s32 s3, s9;
	s6 =	sadd.s32 @!p0 $0x88, s6;
	s7 =	simm.s32 @p2 $0x1082  }
0x22: {  	[simem:s7], [sflag:s8] =	dma.local @!p0 [hbm:s6], $0xF7A  }
0x23: {  	s9 =	sor.u32 $0xD0000000, s2;
	s6 =	simm.s32 $0x108;
	_ =	swait.ge @!p0 [sflag:s8], $0x0  }
0x24: {  	s3 =	sadd.s32 $0x88, s3;
	s6 =	simm.s32 @!p1 $0x1082;
	[sflag:s4] =	ssyncset.s32 $0xFFFFF086  }
0x25: {  	[simem:s6], [sflag:s4] =	dma.local [hbm:s3], $0xF7A  }
0x26: {  	[smem:$0x3F9E] =	sst s1;
	(tag) =	ssettag s2;
	_ =	strace s9  }
0x27: {  	s1 =	sld [smem:$0x3FAE]  }
0x28: {  	s2 =	sld [smem:$0x3FAF]  }
0x29: {  	s4 =	sld [smem:$0x3FB1]  }
0x2a: {  	p0 =	seq.s32 s5, $0x0;
	s5 =	sld [smem:$0x3FB2]  }
0x2b: {  	s6 =	sld [smem:$0x3FB3]  }
0x2c: {  	s7 =	sld [smem:$0x3FB4]  }
0x2d: {  	s3 =	simm.s32 $0x108;
	s8 =	sld [smem:$0x3FB5]  }
0x2e: {  	s3 =	simm.s32 @!p0 $0x1082;
	s9 =	sld [smem:$0x3FB6]  }
0x2f: {  	lr =	sadd.s32 s0, s3;
	s0 =	sld [smem:$0x3FAD]  }
0x30: {  	s3 =	sld [smem:$0x3FB0]  }
0x31: {  	[smem:$0x3FB9] =	sst s10  }
0x32: {  	s10 =	sld [smem:$0x3FB7];
	_ =	sdelay $0x3  }
0x33: {  	p0 =	seq.s32 s10, $0x1;
	s10 =	sld [smem:$0x3FB9];
	_ =	sdelay $0x3  }
0x34: {  	[smem:$0x3FB9] =	sst s10  }
0x35: {  	s10 =	sld [smem:$0x3FB8];
	_ =	sdelay $0x3  }
0x36: {  	p1 =	seq.s32 s10, $0x1;
	s10 =	sld [smem:$0x3FB9];
	_ =	sdelay $0x3  }
0x37: {  	[smem:$0x3FB9] =	sst s10  }
0x38: {  	s10 =	sld [smem:$0x3FBA]  }
0x39: {  	_ = 	snop;
	(pc) =	sbr.ind lr, $3  }
0x3a: {  	_ = 	snop  }
0x3b: {  	_ = 	snop  }
0x3c: {  	p2 =	seq.s32 s10, $0x1;
	s10 =	sld [smem:$0x3FB9]  }
0x3d: {  	_ =	shalt  }
0x3e: {  	_ =	shalt  }
0x3f: {  	_ =	shalt  }
0x40: {  	_ =	shalt  }
0x41: {  	_ =	shalt  }
0x42: {  	_ =	shalt  }
0x43: {  	_ =	shalt  }
0x44: {  	_ =	shalt  }
0x45: {  	_ =	shalt  }
0x46: {  	_ =	shalt  }
0x47: {  	_ =	shalt  }
0x48: {  	_ =	shalt  }
0x49: {  	_ =	shalt  }
0x4a: {  	_ =	shalt  }
0x4b: {  	_ =	shalt  }
0x4c: {  	_ =	shalt  }
0x4d: {  	_ =	shalt  }
0x4e: {  	_ =	shalt  }
0x4f: {  	_ =	shalt  }
0x50: {  	_ =	shalt  }
0x51: {  	_ =	shalt  }
0x52: {  	_ =	shalt  }
0x53: {  	_ =	shalt  }
0x54: {  	_ =	shalt  }
0x55: {  	_ =	shalt  }
0x56: {  	_ =	shalt  }
0x57: {  	_ =	shalt  }
0x58: {  	_ =	shalt  }
0x59: {  	_ =	shalt  }
0x5a: {  	_ =	shalt  }
0x5b: {  	_ =	shalt  }
0x5c: {  	_ =	shalt  }
0x5d: {  	_ =	shalt  }
0x5e: {  	_ =	shalt  }
0x5f: {  	_ =	shalt  }
0x60: {  	_ =	shalt  }
0x61: {  	_ =	shalt  }
0x62: {  	_ =	shalt  }
0x63: {  	_ =	shalt  }
0x64: {  	_ =	shalt  }
0x65: {  	_ =	shalt  }
0x66: {  	_ =	shalt  }
0x67: {  	_ =	shalt  }
0x68: {  	_ =	shalt  }
0x69: {  	_ =	shalt  }
0x6a: {  	_ =	shalt  }
0x6b: {  	_ =	shalt  }
0x6c: {  	_ =	shalt  }
0x6d: {  	_ =	shalt  }
0x6e: {  	_ =	shalt  }
0x6f: {  	_ =	shalt  }
0x70: {  	_ =	shalt  }
0x71: {  	_ =	shalt  }
0x72: {  	_ =	shalt  }
0x73: {  	_ =	shalt  }
0x74: {  	_ =	shalt  }
0x75: {  	_ =	shalt  }
0x76: {  	_ =	shalt  }
0x77: {  	_ =	shalt  }
0x78: {  	_ =	shalt  }
0x79: {  	_ =	shalt  }
0x7a: {  	_ =	shalt  }
0x7b: {  	_ =	shalt  }
0x7c: {  	_ =	shalt  }
0x7d: {  	_ =	shalt  }
0x7e: {  	_ =	shalt  }
0x7f: {  	_ =	shalt  }
0x80: {  	_ =	shalt  }
0x81: {  	_ =	shalt  }
0x82: {  	_ =	shalt  }
0x83: {  	_ =	shalt  }
0x84: {  	_ =	shalt  }
0x85: {  	_ =	shalt  }
0x86: {  	_ =	shalt  }
0x87: {  	_ =	shalt  }
.Lfunc_end0:
.L_simem_size_0:
called_computation_lowered:
.L_overlay_start_0:
0x88: {  	s2 =	sld [smem:$0x3FD9]  }
0x89: {  	s3 =	sld [smem:$0x3FFE];
	_ =	sdelay $0x1  }
0x8a: {  	s1 =	srdreg.scid  }
0x8b: {  	s0 =	sand.u32 $0x1, s1  }
0x8c: {  	s17 =	sshll.u32 s0, $0xA;
	s2 =	sadd.s32 s3, s2  }
0x8d: {  	s2 =	sadd.s32 s2, s17  }
0x8e: {  	[smem:$0x3FC5] =	sst s2  }
0x8f: {  	_ = 	snop  }
0x90: {  	s2 =	sld [smem:$0x3FC9];
	(tm) =	ssettm $0x1  }
0x91: {  	s18 =	sld [smem:$0x3FFB];
	_ =	sdelay $0x3  }
0x92: {  	_ =	strace s18  }
0x93: {  	s3 =	sld [smem:$0x3FFC];
	_ =	sdelay $0x3  }
0x94: {  	_ =	strace s3  }
0x95: {  	s3 =	sld [smem:$0x3FFD];
	_ =	sdelay $0x3  }
0x96: {  	_ =	strace s3  }
0x97: {  	_ =	strace $0x8FFFFFFF  }
0x98: {  	s19 =	sld [smem:$0x3FDB];
	_ =	sdelay $0x1  }
0x99: {  	s4 =	simm.s32 $_scs_section_size  }
0x9a: {  	s5 =	simm.s32 $_size__tile_overlayer_lowered;
	s6 =	simm.s32 $_tile_overlayer_lowered  }
0x9b: {  	s22 =	simm.s32 $0x1BFF;
	s21 =	sshll.u32 s6, $0x1;
	s3 =	sadd.s32 s4, s19  }
0x9c: {  	s7 =	simm.s32 $0x0;
	s20 =	sshll.u32 s5, $0x1;
	s5 =	sadd.s32 s21, s3  }
0x9d: {  	[timem:s7], [sflag:s22] =	dma.local [hbm:s5], s20  }
0x9e: {  	_ =	swait.ge [sflag:s22], s20  }
0x9f: {  	s4 =	ssub.s32 $0x0, s20;
	[sflag:s22] =	ssyncset.done $0x0  }
0xa0: {  	[sflag:s22] =	ssyncadd.s32 s4;
	_ =	sdelay $0x1  }
0xa1: {  	s23 =	simm.s32 $0x1B8B  }
0xa2: {  	_ =	swait.ge [sflag:s23], $0x1  }
0xa3: {  	[sflag:s23] =	ssyncset.done $0x0  }
0xa4: {  	s25 =	simm.s32 $0x1B8E;
	s24 =	sld [smem:$0x3FFE];
	[sflag:s23] =	ssyncadd.s32 $0xFFFFFFFF  }
0xa5: {  	s26 =	simm.s32 $execute0_lowered;
	[smem:$0x3FD2] =	sst s25  }
0xa6: {  	s5 =	sshll.u32 s26, $0x1;
	_ =	strace $0x80000046;
	[dreg:$0x1] =	wrdreg $0xFFFFFFFF  }
0xa7: {  	s28 =	simm.s32 $_size_execute0_lowered;
	s3 =	sadd.s32 s3, s5;
	[dreg:$0x0] =	wrdreg $0x0  }
0xa8: {  	s5 =	sshll.u32 s28, $0x1;
	[dreg:$0x2] =	wrdreg s3  }
0xa9: {  	[dreg:$0x3] =	wrdreg s5  }
0xaa: {  	[dreg:$0x4] =	wrdreg $0xC0  }
0xab: {  	_ =	task [dreg:s7], $0x5FFFF  }
0xac: {  	[dreg:$0x1] =	wrdreg $0xFFFFFFFF  }
0xad: {  	[dreg:$0x0] =	wrdreg $0x60  }
0xae: {  	[dreg:$0x2] =	wrdreg s2  }
0xaf: {  	[dreg:$0x3] =	wrdreg s24  }
0xb0: {  	[dreg:$0x4] =	wrdreg $0x9  }
0xb1: {  	_ =	task.clear_ibuf [dreg:s7], $0x5FFFF;
	_ =	strace $0x90000046  }
0xb2: {  	s29 =	simm.s32 $0x9;
	_ =	strace $0x80000048  }
0xb3: {  	_ =	swait.ge [sflag:s29], $0x1  }
0xb4: {  	[sflag:s29] =	ssyncadd.s32 $0xFFFFFFFF  }
0xb5: {  	_ =	strace $0x90000048  }
0xb6: {  	_ =	sfence  }
0xb7: {  	s30 =	sld [smem:$0x0];
	_ =	sdelay $0x2  }
0xb8: {  	s31 =	sshll.u32 s1, $0xD;
	s1 =	sshrl.u32 s1, $0x2  }
0xb9: {  	s3 =	sand.u32 $0x4000, s31;
	s1 =	sadd.s32 s1, s30  }
0xba: {  	s0 =	sor.u32 s3, s0;
	s1 =	sshll.u32 s1, $0x11  }
0xbb: {  	s0 =	sor.u32 s1, s0  }
0xbc: {  	s0 =	sadd.s32 $0x8F2B, s0  }
0xbd: {  	[sflag:s0] =	ssyncadd.remote.s32 $0x1  }
0xbe: {  	_ =	sfence.sel $0xFFFF  }
0xbf: {  	[dreg:$0x0] =	wrdreg $0xFFFFFFFF;
	(pc) =	sbr.abs _section_cstart, $3  }
0xc0: {  	[dreg:$0x1] =	wrdreg $0xFFFFFFFF  }
0xc1: {  	_ =	task.clear_ibuf [dreg:s7], $0x2FFFF;
	_ =	strace $0x9FFFFFFF  }
0xc2: {  	(tm) =	ssettm $0x7FFFFFFF  }
0xc3: {  	_ =	shalt  }
tec
execute0_lowered:
.L_overlay_start_1:
0x0: {  	(tag) =	ssettag $0x1  }
0x1: {  	s5 =	rddreg [dreg:$0x0]  }
0x2: {  	s6 =	rddreg [dreg:$0x1]  }
0x3: {  	s0 =	rddreg [dreg:$0x2];
	s2 =	simm.s32 $0x0;
	s3 =	srdreg.scid  }
0x4: {  	s1 =	stileid.u32;
	s11 =	simm.s32 $0x2;
	s12 =	simm.s32 $0x3  }
0x5: {  	s13 =	simm.s32 $0x5;
	s14 =	simm.s32 $0x6;
	s15 =	simm.s32 $0x7  }
0x6: {  	s16 =	simm.s32 $0x8;
	s17 =	simm.s32 $0x280;
	s18 =	simm.s32 $0x4  }
0x7: {  	s19 =	simm.s32 $0x0;
	[smem:$0x7FF] =	sst s2;
	s4 =	sand.u32 $0x1, s3  }
0x8: {  	s7 =	sshll.u32 s1, $0xA;
	s3 =	sadd.s32 $0x800, s6;
	s8 =	sshll.u32 s4, $0x9  }
0x9: {  	_ =	strace $0x80000047;
	s30 =	ssub.s32 $0x2, s4;
	s7 =	sor.u32 s8, s7  }
0xa: {  	s4 =	sadd.s32 $0xF42C00, s6;
	s10 =	sshrl.u32 s30, $0x1;
	s9 =	sshll.u32 s7, $0x4  }
0xb: {  	s8 =	ssub.s32 s30, s10;
	s31 =	sshrl.u32 s7, $0x3;
	s10 =	simm.s32 $0x1  }
0xc: {  	s9 =	sadd.s32 s9, s6;
	s5 =	sadd.s32 s5, s31;
	s8 =	smax.u32 s8, $0x1  }
0xd: {  	s6 =	sadd.s32 $0x1E85000, s9;
	s7 =	sadd.s32 $0x1EC5000, s9;
	s9 =	simm.s32 $0x9  }
.LBB2_1:
0xe: {  	[tilespmem:s2], [sflag:$0x9] =	stream.linear.gather [hbm4b:s5+s2], $0x200, $0x38;
	[tilespmem:$0x10280] =	vst v63  }
0xf: {  	_ =	swait.ge [sflag:s9], $0x200  }
0x10: {  	[sflag:s9] =	ssyncset.done $0x0  }
0x11: {  	[sflag:s9] =	ssyncadd.s32 $0xFFFFFE00  }
0x12: {  	v0 =	vld [tilespmem:s18+$0xFFFFFFFC];
	_ =	sdelay $0x4  }
0x13: {  	(v2sf) =	vpush v0, $0x0;
	_ =	sdelay $0xe  }
0x14: {  	s20 =	spop (v2sf)  }
0x15: {  	s20 =	sshll.u32 s20, $0x4  }
0x16: {  	s20 =	sand.u32 $0x1FFFFFF0, s20  }
0x17: {  	s21 =	simm.s32 $0x280;
	s20 =	sadd.s32 s3, s20  }
0x18: {  	[tilespmem:s21], [sflag:$0x1] =	stream.linear.gather [hbm4b:s20+s2], $0x80, $0x38;
	[tilespmem:$0x10280] =	vst v63  }
0x19: {  	v57 =	vld [tilespmem:s18+$0xFFFFFFFD];
	_ =	sdelay $0x4  }
0x1a: {  	(v2sf) =	vpush v57, $0x0;
	_ =	sdelay $0xe  }
0x1b: {  	s28 =	spop (v2sf)  }
0x1c: {  	s20 =	sshll.u32 s28, $0x4  }
0x1d: {  	s20 =	sand.u32 $0x1FFFFFF0, s20  }
0x1e: {  	s29 =	simm.s32 $0x300;
	s20 =	sadd.s32 s3, s20  }
0x1f: {  	[tilespmem:s29], [sflag:$0x2] =	stream.linear.gather [hbm4b:s20+s2], $0x80, $0x38;
	[tilespmem:$0x10280] =	vst v63  }
0x20: {  	v58 =	vld [tilespmem:s18+$0xFFFFFFFE];
	_ =	sdelay $0x4  }
0x21: {  	(v2sf) =	vpush v58, $0x0;
	_ =	sdelay $0xe  }
0x22: {  	s30 =	spop (v2sf)  }
0x23: {  	s20 =	sshll.u32 s30, $0x4  }
0x24: {  	s20 =	sand.u32 $0x1FFFFFF0, s20  }
0x25: {  	s31 =	simm.s32 $0x380;
	s20 =	sadd.s32 s3, s20  }
0x26: {  	[tilespmem:s31], [sflag:$0x3] =	stream.linear.gather [hbm4b:s20+s2], $0x80, $0x38;
	[tilespmem:$0x10280] =	vst v63  }
0x27: {  	v59 =	vld [tilespmem:s18+$0xFFFFFFFF];
	_ =	sdelay $0x4  }
0x28: {  	(v2sf) =	vpush v59, $0x0;
	_ =	sdelay $0xe  }
0x29: {  	s21 =	spop (v2sf)  }
0x2a: {  	s20 =	sshll.u32 s21, $0x4  }
0x2b: {  	s20 =	sand.u32 $0x1FFFFFF0, s20  }
0x2c: {  	s22 =	simm.s32 $0x400;
	s20 =	sadd.s32 s3, s20  }
0x2d: {  	[tilespmem:s22], [sflag:$0x4] =	stream.linear.gather [hbm4b:s20+s2], $0x80, $0x38;
	[tilespmem:$0x10280] =	vst v63  }
0x2e: {  	v60 =	vld [tilespmem:s18+$0x0];
	_ =	sdelay $0x4  }
0x2f: {  	(v2sf) =	vpush v60, $0x0;
	_ =	sdelay $0xe  }
0x30: {  	s23 =	spop (v2sf)  }
0x31: {  	s20 =	sshll.u32 s23, $0x4  }
0x32: {  	s20 =	sand.u32 $0x1FFFFFF0, s20  }
0x33: {  	s24 =	simm.s32 $0x480;
	s20 =	sadd.s32 s3, s20  }
0x34: {  	[tilespmem:s24], [sflag:$0x5] =	stream.linear.gather [hbm4b:s20+s2], $0x80, $0x38;
	[tilespmem:$0x10280] =	vst v63  }
0x35: {  	v61 =	vld [tilespmem:s18+$0x1];
	_ =	sdelay $0x4  }
0x36: {  	(v2sf) =	vpush v61, $0x0;
	_ =	sdelay $0xe  }
0x37: {  	s25 =	spop (v2sf)  }
0x38: {  	s20 =	sshll.u32 s25, $0x4  }
0x39: {  	s20 =	sand.u32 $0x1FFFFFF0, s20  }
0x3a: {  	s26 =	simm.s32 $0x500;
	s20 =	sadd.s32 s3, s20  }
0x3b: {  	[tilespmem:s26], [sflag:$0x6] =	stream.linear.gather [hbm4b:s20+s2], $0x80, $0x38;
	[tilespmem:$0x10280] =	vst v63  }
0x3c: {  	v62 =	vld [tilespmem:s18+$0x2];
	_ =	sdelay $0x4  }
0x3d: {  	(v2sf) =	vpush v62, $0x0;
	_ =	sdelay $0xe  }
0x3e: {  	s28 =	spop (v2sf)  }
0x3f: {  	s20 =	sshll.u32 s28, $0x4  }
0x40: {  	s20 =	sand.u32 $0x1FFFFFF0, s20  }
0x41: {  	s29 =	simm.s32 $0x580;
	s20 =	sadd.s32 s3, s20  }
0x42: {  	[tilespmem:s29], [sflag:$0x7] =	stream.linear.gather [hbm4b:s20+s2], $0x80, $0x38;
	[tilespmem:$0x10280] =	vst v63  }
0x43: {  	v63 =	vld [tilespmem:s18+$0x3];
	_ =	sdelay $0x4  }
0x44: {  	(v2sf) =	vpush v63, $0x0;
	_ =	sdelay $0xe  }
0x45: {  	s30 =	spop (v2sf)  }
0x46: {  	s31 =	sshll.u32 s30, $0x4  }
0x47: {  	s22 =	simm.s32 $0x600;
	s21 =	sand.u32 $0x1FFFFFF0, s31  }
0x48: {  	s20 =	simm.s32 $0x1000;
	s23 =	sadd.s32 s3, s21;
	s21 =	simm.s32 $0xC  }
.LBB2_2:
0x49: {  	[tilespmem:s22], [sflag:$0x8] =	stream.linear.gather [hbm4b:s23+s2], $0x80, $0x38;
	[tilespmem:$0x10280] =	vst v63  }
0x4a: {  	p0 =	sne.s32 s20, $0x3F000;
	s22 =	smov.u32 s20;
	s20 =	sadd.s32 $0x1000, s20;
	v0 =	vld [tilespmem:s21+$0xFFFFFFFC]  }
0x4b: {  	_ =	sdelay $0x3  }
0x4c: {  	(v2sf) =	vpush v0, $0x0;
	_ =	sdelay $0xe  }
0x4d: {  	s23 =	spop (v2sf)  }
0x4e: {  	s23 =	sshll.u32 s23, $0x4  }
0x4f: {  	s22 =	sshra.s32 s22, $0x2;
	s23 =	sand.u32 $0x1FFFFFF0, s23  }
0x50: {  	s24 =	sadd.s32 $0x280, s22;
	s23 =	sadd.s32 s3, s23  }
0x51: {  	[tilespmem:s24], [sflag:$0x1] =	stream.linear.gather [hbm4b:s23+s2], $0x80, $0x38;
	[tilespmem:$0x10280] =	vst v63  }
0x52: {  	v0 =	vld [tilespmem:s21+$0xFFFFFFFD];
	_ =	sdelay $0x4  }
0x53: {  	(v2sf) =	vpush v0, $0x0;
	_ =	sdelay $0xe  }
0x54: {  	s23 =	spop (v2sf)  }
0x55: {  	s23 =	sshll.u32 s23, $0x4  }
0x56: {  	s23 =	sand.u32 $0x1FFFFFF0, s23  }
0x57: {  	s24 =	sadd.s32 $0x300, s22;
	s23 =	sadd.s32 s3, s23  }
0x58: {  	[tilespmem:s24], [sflag:$0x2] =	stream.linear.gather [hbm4b:s23+s2], $0x80, $0x38;
	[tilespmem:$0x10280] =	vst v63  }
0x59: {  	v0 =	vld [tilespmem:s21+$0xFFFFFFFE];
	_ =	sdelay $0x4  }
0x5a: {  	(v2sf) =	vpush v0, $0x0;
	_ =	sdelay $0xe  }
0x5b: {  	s23 =	spop (v2sf)  }
0x5c: {  	s23 =	sshll.u32 s23, $0x4  }
0x5d: {  	s23 =	sand.u32 $0x1FFFFFF0, s23  }
0x5e: {  	s24 =	sadd.s32 $0x380, s22;
	s23 =	sadd.s32 s3, s23  }
0x5f: {  	[tilespmem:s24], [sflag:$0x3] =	stream.linear.gather [hbm4b:s23+s2], $0x80, $0x38;
	[tilespmem:$0x10280] =	vst v63  }
0x60: {  	v0 =	vld [tilespmem:s21+$0xFFFFFFFF];
	_ =	sdelay $0x4  }
0x61: {  	(v2sf) =	vpush v0, $0x0;
	_ =	sdelay $0xe  }
0x62: {  	s23 =	spop (v2sf)  }
0x63: {  	s23 =	sshll.u32 s23, $0x4  }
0x64: {  	s23 =	sand.u32 $0x1FFFFFF0, s23  }
0x65: {  	s24 =	sadd.s32 $0x400, s22;
	s23 =	sadd.s32 s3, s23  }
0x66: {  	[tilespmem:s24], [sflag:$0x4] =	stream.linear.gather [hbm4b:s23+s2], $0x80, $0x38;
	[tilespmem:$0x10280] =	vst v63  }
0x67: {  	v0 =	vld [tilespmem:s21+$0x0];
	_ =	sdelay $0x4  }
0x68: {  	(v2sf) =	vpush v0, $0x0;
	_ =	sdelay $0xe  }
0x69: {  	s23 =	spop (v2sf)  }
0x6a: {  	s23 =	sshll.u32 s23, $0x4  }
0x6b: {  	s23 =	sand.u32 $0x1FFFFFF0, s23  }
0x6c: {  	s24 =	sadd.s32 $0x480, s22;
	s23 =	sadd.s32 s3, s23  }
0x6d: {  	[tilespmem:s24], [sflag:$0x5] =	stream.linear.gather [hbm4b:s23+s2], $0x80, $0x38;
	[tilespmem:$0x10280] =	vst v63  }
0x6e: {  	v0 =	vld [tilespmem:s21+$0x1];
	_ =	sdelay $0x4  }
0x6f: {  	(v2sf) =	vpush v0, $0x0;
	_ =	sdelay $0xe  }
0x70: {  	s23 =	spop (v2sf)  }
0x71: {  	s23 =	sshll.u32 s23, $0x4  }
0x72: {  	s23 =	sand.u32 $0x1FFFFFF0, s23  }
0x73: {  	s24 =	sadd.s32 $0x500, s22;
	s23 =	sadd.s32 s3, s23  }
0x74: {  	[tilespmem:s24], [sflag:$0x6] =	stream.linear.gather [hbm4b:s23+s2], $0x80, $0x38;
	[tilespmem:$0x10280] =	vst v63  }
0x75: {  	v0 =	vld [tilespmem:s21+$0x2];
	_ =	sdelay $0x4  }
0x76: {  	(v2sf) =	vpush v0, $0x0;
	_ =	sdelay $0xe  }
0x77: {  	s23 =	spop (v2sf)  }
0x78: {  	s23 =	sshll.u32 s23, $0x4  }
0x79: {  	s23 =	sand.u32 $0x1FFFFFF0, s23  }
0x7a: {  	s24 =	sadd.s32 $0x580, s22;
	s23 =	sadd.s32 s3, s23  }
0x7b: {  	[tilespmem:s24], [sflag:$0x7] =	stream.linear.gather [hbm4b:s23+s2], $0x80, $0x38;
	[tilespmem:$0x10280] =	vst v63  }
0x7c: {  	v0 =	vld [tilespmem:s21+$0x3];
	_ =	sdelay $0x4  }
0x7d: {  	(v2sf) =	vpush v0, $0x0;
	_ =	sdelay $0xd  }
.Ltmp0:
0x7e: {  	(pc) =	sbr.rel @p0 .LBB2_2-.Ltmp0, $4  }
0x7f: {  	s23 =	spop (v2sf)  }
0x80: {  	s23 =	sshll.u32 s23, $0x4  }
0x81: {  	s23 =	sand.u32 $0x1FFFFFF0, s23  }
0x82: {  	s22 =	sadd.s32 $0x600, s22;
	s21 =	sadd.s32 $0x8, s21;
	s23 =	sadd.s32 s3, s23  }
0x83: {  	[tilespmem:s22], [sflag:$0x8] =	stream.linear.gather [hbm4b:s23+s2], $0x80, $0x38;
	[tilespmem:$0x10280] =	vst v63  }
0x84: {  	_ =	swait.ge [sflag:s10], $0x2000  }
0x85: {  	[sflag:s10] =	ssyncset.done $0x0  }
0x86: {  	[sflag:s10] =	ssyncadd.s32 $0xFFFFE000  }
0x87: {  	_ =	swait.ge [sflag:s11], $0x2000  }
0x88: {  	[sflag:s11] =	ssyncset.done $0x0  }
0x89: {  	[sflag:s11] =	ssyncadd.s32 $0xFFFFE000  }
0x8a: {  	_ =	swait.ge [sflag:s12], $0x2000  }
0x8b: {  	[sflag:s12] =	ssyncset.done $0x0  }
0x8c: {  	s20 =	simm.s32 $0x4;
	[sflag:s12] =	ssyncadd.s32 $0xFFFFE000  }
0x8d: {  	_ =	swait.ge [sflag:s20], $0x2000  }
0x8e: {  	[sflag:s20] =	ssyncset.done $0x0  }
0x8f: {  	[sflag:s20] =	ssyncadd.s32 $0xFFFFE000  }
0x90: {  	_ =	swait.ge [sflag:s13], $0x2000  }
0x91: {  	[sflag:s13] =	ssyncset.done $0x0  }
0x92: {  	[sflag:s13] =	ssyncadd.s32 $0xFFFFE000  }
0x93: {  	_ =	swait.ge [sflag:s14], $0x2000  }
0x94: {  	[sflag:s14] =	ssyncset.done $0x0  }
0x95: {  	[sflag:s14] =	ssyncadd.s32 $0xFFFFE000  }
0x96: {  	_ =	swait.ge [sflag:s15], $0x2000  }
0x97: {  	[sflag:s15] =	ssyncset.done $0x0  }
0x98: {  	[sflag:s15] =	ssyncadd.s32 $0xFFFFE000  }
0x99: {  	_ =	swait.ge [sflag:s16], $0x2000  }
0x9a: {  	[sflag:s16] =	ssyncset.done $0x0  }
0x9b: {  	s21 =	simm.s32 $0x0;
	[sflag:s16] =	ssyncadd.s32 $0xFFFFE000  }
0x9c: {  	[hbm4b:s6+s21] =	stream.linear.scatter [tilespmem:s17], [sflag:$0x9], $0x10000, $0x38;
	[tilespmem:$0x10280] =	vst v63  }
0x9d: {  	_ =	swait.ge [sflag:s9], $0x10000  }
0x9e: {  	[sflag:s9] =	ssyncset.done $0x0  }
0x9f: {  	[sflag:s9] =	ssyncadd.s32 $0xFFFF0000  }
0xa0: {  	v0 =	vld [tilespmem:s20+$0xFFFFFFFC];
	_ =	sdelay $0x4  }
0xa1: {  	(v2sf) =	vpush v0, $0x0;
	_ =	sdelay $0xe  }
0xa2: {  	s23 =	spop (v2sf)  }
0xa3: {  	s21 =	sshll.u32 s23, $0x4  }
0xa4: {  	s21 =	sand.u32 $0x1FFFFFF0, s21  }
0xa5: {  	s24 =	simm.s32 $0x280;
	s21 =	sadd.s32 s4, s21  }
0xa6: {  	[tilespmem:s24], [sflag:$0x1] =	stream.linear.gather [hbm4b:s21+s2], $0x80, $0x38;
	[tilespmem:$0x10280] =	vst v63  }
0xa7: {  	v57 =	vld [tilespmem:s20+$0xFFFFFFFD];
	_ =	sdelay $0x4  }
0xa8: {  	(v2sf) =	vpush v57, $0x0;
	_ =	sdelay $0xe  }
0xa9: {  	s25 =	spop (v2sf)  }
0xaa: {  	s21 =	sshll.u32 s25, $0x4  }
0xab: {  	s21 =	sand.u32 $0x1FFFFFF0, s21  }
0xac: {  	s26 =	simm.s32 $0x300;
	s21 =	sadd.s32 s4, s21  }
0xad: {  	[tilespmem:s26], [sflag:$0x2] =	stream.linear.gather [hbm4b:s21+s2], $0x80, $0x38;
	[tilespmem:$0x10280] =	vst v63  }
0xae: {  	v58 =	vld [tilespmem:s20+$0xFFFFFFFE];
	_ =	sdelay $0x4  }
0xaf: {  	(v2sf) =	vpush v58, $0x0;
	_ =	sdelay $0xe  }
0xb0: {  	s28 =	spop (v2sf)  }
0xb1: {  	s21 =	sshll.u32 s28, $0x4  }
0xb2: {  	s21 =	sand.u32 $0x1FFFFFF0, s21  }
0xb3: {  	s29 =	simm.s32 $0x380;
	s21 =	sadd.s32 s4, s21  }
0xb4: {  	[tilespmem:s29], [sflag:$0x3] =	stream.linear.gather [hbm4b:s21+s2], $0x80, $0x38;
	[tilespmem:$0x10280] =	vst v63  }
0xb5: {  	v59 =	vld [tilespmem:s20+$0xFFFFFFFF];
	_ =	sdelay $0x4  }
0xb6: {  	(v2sf) =	vpush v59, $0x0;
	_ =	sdelay $0xe  }
0xb7: {  	s30 =	spop (v2sf)  }
0xb8: {  	s21 =	sshll.u32 s30, $0x4  }
0xb9: {  	s21 =	sand.u32 $0x1FFFFFF0, s21  }
0xba: {  	s31 =	simm.s32 $0x400;
	s21 =	sadd.s32 s4, s21  }
0xbb: {  	[tilespmem:s31], [sflag:$0x4] =	stream.linear.gather [hbm4b:s21+s2], $0x80, $0x38;
	[tilespmem:$0x10280] =	vst v63  }
0xbc: {  	v60 =	vld [tilespmem:s20+$0x0];
	_ =	sdelay $0x4  }
0xbd: {  	(v2sf) =	vpush v60, $0x0;
	_ =	sdelay $0xe  }
0xbe: {  	s23 =	spop (v2sf)  }
0xbf: {  	s21 =	sshll.u32 s23, $0x4  }
0xc0: {  	s21 =	sand.u32 $0x1FFFFFF0, s21  }
0xc1: {  	s24 =	simm.s32 $0x480;
	s21 =	sadd.s32 s4, s21  }
0xc2: {  	[tilespmem:s24], [sflag:$0x5] =	stream.linear.gather [hbm4b:s21+s2], $0x80, $0x38;
	[tilespmem:$0x10280] =	vst v63  }
0xc3: {  	v61 =	vld [tilespmem:s20+$0x1];
	_ =	sdelay $0x4  }
0xc4: {  	(v2sf) =	vpush v61, $0x0;
	_ =	sdelay $0xe  }
0xc5: {  	s25 =	spop (v2sf)  }
0xc6: {  	s21 =	sshll.u32 s25, $0x4  }
0xc7: {  	s21 =	sand.u32 $0x1FFFFFF0, s21  }
0xc8: {  	s26 =	simm.s32 $0x500;
	s21 =	sadd.s32 s4, s21  }
0xc9: {  	[tilespmem:s26], [sflag:$0x6] =	stream.linear.gather [hbm4b:s21+s2], $0x80, $0x38;
	[tilespmem:$0x10280] =	vst v63  }
0xca: {  	v62 =	vld [tilespmem:s20+$0x2];
	_ =	sdelay $0x4  }
0xcb: {  	(v2sf) =	vpush v62, $0x0;
	_ =	sdelay $0xe  }
0xcc: {  	s28 =	spop (v2sf)  }
0xcd: {  	s21 =	sshll.u32 s28, $0x4  }
0xce: {  	s21 =	sand.u32 $0x1FFFFFF0, s21  }
0xcf: {  	s29 =	simm.s32 $0x580;
	s21 =	sadd.s32 s4, s21  }
0xd0: {  	[tilespmem:s29], [sflag:$0x7] =	stream.linear.gather [hbm4b:s21+s2], $0x80, $0x38;
	[tilespmem:$0x10280] =	vst v63  }
0xd1: {  	v63 =	vld [tilespmem:s20+$0x3];
	_ =	sdelay $0x4  }
0xd2: {  	(v2sf) =	vpush v63, $0x0;
	_ =	sdelay $0xe  }
0xd3: {  	s30 =	spop (v2sf)  }
0xd4: {  	s31 =	sshll.u32 s30, $0x4  }
0xd5: {  	s22 =	simm.s32 $0x600;
	s21 =	sand.u32 $0x1FFFFFF0, s31  }
0xd6: {  	s20 =	simm.s32 $0x1000;
	s23 =	sadd.s32 s4, s21;
	s21 =	simm.s32 $0xC  }
.LBB2_4:
0xd7: {  	[tilespmem:s22], [sflag:$0x8] =	stream.linear.gather [hbm4b:s23+s2], $0x80, $0x38;
	[tilespmem:$0x10280] =	vst v63  }
0xd8: {  	p0 =	sne.s32 s20, $0x3F000;
	s22 =	smov.u32 s20;
	s20 =	sadd.s32 $0x1000, s20;
	v0 =	vld [tilespmem:s21+$0xFFFFFFFC]  }
0xd9: {  	_ =	sdelay $0x3  }
0xda: {  	(v2sf) =	vpush v0, $0x0;
	_ =	sdelay $0xe  }
0xdb: {  	s23 =	spop (v2sf)  }
0xdc: {  	s23 =	sshll.u32 s23, $0x4  }
0xdd: {  	s22 =	sshra.s32 s22, $0x2;
	s23 =	sand.u32 $0x1FFFFFF0, s23  }
0xde: {  	s24 =	sadd.s32 $0x280, s22;
	s23 =	sadd.s32 s4, s23  }
0xdf: {  	[tilespmem:s24], [sflag:$0x1] =	stream.linear.gather [hbm4b:s23+s2], $0x80, $0x38;
	[tilespmem:$0x10280] =	vst v63  }
0xe0: {  	v0 =	vld [tilespmem:s21+$0xFFFFFFFD];
	_ =	sdelay $0x4  }
0xe1: {  	(v2sf) =	vpush v0, $0x0;
	_ =	sdelay $0xe  }
0xe2: {  	s23 =	spop (v2sf)  }
0xe3: {  	s23 =	sshll.u32 s23, $0x4  }
0xe4: {  	s23 =	sand.u32 $0x1FFFFFF0, s23  }
0xe5: {  	s24 =	sadd.s32 $0x300, s22;
	s23 =	sadd.s32 s4, s23  }
0xe6: {  	[tilespmem:s24], [sflag:$0x2] =	stream.linear.gather [hbm4b:s23+s2], $0x80, $0x38;
	[tilespmem:$0x10280] =	vst v63  }
0xe7: {  	v0 =	vld [tilespmem:s21+$0xFFFFFFFE];
	_ =	sdelay $0x4  }
0xe8: {  	(v2sf) =	vpush v0, $0x0;
	_ =	sdelay $0xe  }
0xe9: {  	s23 =	spop (v2sf)  }
0xea: {  	s23 =	sshll.u32 s23, $0x4  }
0xeb: {  	s23 =	sand.u32 $0x1FFFFFF0, s23  }
0xec: {  	s24 =	sadd.s32 $0x380, s22;
	s23 =	sadd.s32 s4, s23  }
0xed: {  	[tilespmem:s24], [sflag:$0x3] =	stream.linear.gather [hbm4b:s23+s2], $0x80, $0x38;
	[tilespmem:$0x10280] =	vst v63  }
0xee: {  	v0 =	vld [tilespmem:s21+$0xFFFFFFFF];
	_ =	sdelay $0x4  }
0xef: {  	(v2sf) =	vpush v0, $0x0;
	_ =	sdelay $0xe  }
0xf0: {  	s23 =	spop (v2sf)  }
0xf1: {  	s23 =	sshll.u32 s23, $0x4  }
0xf2: {  	s23 =	sand.u32 $0x1FFFFFF0, s23  }
0xf3: {  	s24 =	sadd.s32 $0x400, s22;
	s23 =	sadd.s32 s4, s23  }
0xf4: {  	[tilespmem:s24], [sflag:$0x4] =	stream.linear.gather [hbm4b:s23+s2], $0x80, $0x38;
	[tilespmem:$0x10280] =	vst v63  }
0xf5: {  	v0 =	vld [tilespmem:s21+$0x0];
	_ =	sdelay $0x4  }
0xf6: {  	(v2sf) =	vpush v0, $0x0;
	_ =	sdelay $0xe  }
0xf7: {  	s23 =	spop (v2sf)  }
0xf8: {  	s23 =	sshll.u32 s23, $0x4  }
0xf9: {  	s23 =	sand.u32 $0x1FFFFFF0, s23  }
0xfa: {  	s24 =	sadd.s32 $0x480, s22;
	s23 =	sadd.s32 s4, s23  }
0xfb: {  	[tilespmem:s24], [sflag:$0x5] =	stream.linear.gather [hbm4b:s23+s2], $0x80, $0x38;
	[tilespmem:$0x10280] =	vst v63  }
0xfc: {  	v0 =	vld [tilespmem:s21+$0x1];
	_ =	sdelay $0x4  }
0xfd: {  	(v2sf) =	vpush v0, $0x0;
	_ =	sdelay $0xe  }
0xfe: {  	s23 =	spop (v2sf)  }
0xff: {  	s23 =	sshll.u32 s23, $0x4  }
0x100: {  	s23 =	sand.u32 $0x1FFFFFF0, s23  }
0x101: {  	s24 =	sadd.s32 $0x500, s22;
	s23 =	sadd.s32 s4, s23  }
0x102: {  	[tilespmem:s24], [sflag:$0x6] =	stream.linear.gather [hbm4b:s23+s2], $0x80, $0x38;
	[tilespmem:$0x10280] =	vst v63  }
0x103: {  	v0 =	vld [tilespmem:s21+$0x2];
	_ =	sdelay $0x4  }
0x104: {  	(v2sf) =	vpush v0, $0x0;
	_ =	sdelay $0xe  }
0x105: {  	s23 =	spop (v2sf)  }
0x106: {  	s23 =	sshll.u32 s23, $0x4  }
0x107: {  	s23 =	sand.u32 $0x1FFFFFF0, s23  }
0x108: {  	s24 =	sadd.s32 $0x580, s22;
	s23 =	sadd.s32 s4, s23  }
0x109: {  	[tilespmem:s24], [sflag:$0x7] =	stream.linear.gather [hbm4b:s23+s2], $0x80, $0x38;
	[tilespmem:$0x10280] =	vst v63  }
0x10a: {  	v0 =	vld [tilespmem:s21+$0x3];
	_ =	sdelay $0x4  }
0x10b: {  	(v2sf) =	vpush v0, $0x0;
	_ =	sdelay $0xd  }
.Ltmp1:
0x10c: {  	(pc) =	sbr.rel @p0 .LBB2_4-.Ltmp1, $4  }
0x10d: {  	s23 =	spop (v2sf)  }
0x10e: {  	s23 =	sshll.u32 s23, $0x4  }
0x10f: {  	s23 =	sand.u32 $0x1FFFFFF0, s23  }
0x110: {  	s22 =	sadd.s32 $0x600, s22;
	s21 =	sadd.s32 $0x8, s21;
	s23 =	sadd.s32 s4, s23  }
0x111: {  	[tilespmem:s22], [sflag:$0x8] =	stream.linear.gather [hbm4b:s23+s2], $0x80, $0x38;
	[tilespmem:$0x10280] =	vst v63  }
0x112: {  	_ =	swait.ge [sflag:s10], $0x2000  }
0x113: {  	[sflag:s10] =	ssyncset.done $0x0  }
0x114: {  	[sflag:s10] =	ssyncadd.s32 $0xFFFFE000  }
0x115: {  	_ =	swait.ge [sflag:s11], $0x2000  }
0x116: {  	[sflag:s11] =	ssyncset.done $0x0  }
0x117: {  	[sflag:s11] =	ssyncadd.s32 $0xFFFFE000  }
0x118: {  	_ =	swait.ge [sflag:s12], $0x2000  }
0x119: {  	[sflag:s12] =	ssyncset.done $0x0  }
0x11a: {  	[sflag:s12] =	ssyncadd.s32 $0xFFFFE000  }
0x11b: {  	_ =	swait.ge [sflag:s18], $0x2000  }
0x11c: {  	[sflag:s18] =	ssyncset.done $0x0  }
0x11d: {  	[sflag:s18] =	ssyncadd.s32 $0xFFFFE000  }
0x11e: {  	_ =	swait.ge [sflag:s13], $0x2000  }
0x11f: {  	[sflag:s13] =	ssyncset.done $0x0  }
0x120: {  	[sflag:s13] =	ssyncadd.s32 $0xFFFFE000  }
0x121: {  	_ =	swait.ge [sflag:s14], $0x2000  }
0x122: {  	[sflag:s14] =	ssyncset.done $0x0  }
0x123: {  	[sflag:s14] =	ssyncadd.s32 $0xFFFFE000  }
0x124: {  	_ =	swait.ge [sflag:s15], $0x2000  }
0x125: {  	[sflag:s15] =	ssyncset.done $0x0  }
0x126: {  	[sflag:s15] =	ssyncadd.s32 $0xFFFFE000  }
0x127: {  	s19 =	sadd.s32 $0x1, s19;
	_ =	swait.ge [sflag:s16], $0x2000  }
0x128: {  	p0 =	sne.s32 s19, s8;
	[sflag:s16] =	ssyncset.done $0x0  }
.Ltmp2:
0x129: {  	[sflag:s16] =	ssyncadd.s32 $0xFFFFE000;
	(pc) =	sbr.rel @p0 .LBB2_1-.Ltmp2, $4  }
0x12a: {  	[hbm4b:s7+s2] =	stream.linear.scatter [tilespmem:s17], [sflag:$0x9], $0x10000, $0x38;
	[tilespmem:$0x10280] =	vst v63  }
0x12b: {  	_ =	swait.ge [sflag:s9], $0x10000  }
0x12c: {  	[sflag:s9] =	ssyncset.done $0x0  }
0x12d: {  	[sflag:s9] =	ssyncadd.s32 $0xFFFF0000  }
0x12e: {  	_ =	sfence.sel $0x180000  }
0x12f: {  	[bflag:$0x0] =	sbarrier.arrive $0xFFFF  }
0x130: {  	p0 =	sne.s32 s1, $0x0;
	_ =	strace $0x90000047  }
0x131: {  	s0 =	sadd.s32 @!p0 $0x100000, s0;
	[bflag:$0x2] =	sbarrier.arrive $0xFFFF  }
0x132: {  	[sflag:s0] =	ssyncadd.tile.s32 @!p0 $0x1;
	_ =	shalt  }
.Lfunc_end2:
_tile_overlayer_lowered:
.L_overlay_start_2:
0x133: {  	(tag) =	ssettag $0x2  }
0x134: {  	s0 =	rddreg [dreg:$0x0];
	s2 =	stileid.u32  }
0x135: {  	s1 =	rddreg [dreg:$0x1];
	p0 =	sne.s32 s2, $0x0  }
0x136: {  	s3 =	rddreg [dreg:$0x2];
	[bflag:$0x3] =	sbarrier.arrive $0xFFFF;
	s2 =	simm.s32 @!p0 $0x1C09  }
0x137: {  	[timem:s3], [sflag:s2] =	dma.local @!p0 [hbm:s0], s1  }
0x138: {  	s0 =	simm.s32 @!p0 $0x9  }
0x139: {  	_ =	swait.ge @!p0 [sflag:s0], s1  }
0x13a: {  	s1 =	ssub.s32 @!p0 $0x0, s1;
	[sflag:s0] =	ssyncset.done @!p0 $0x0  }
0x13b: {  	[sflag:s0] =	ssyncadd.s32 @!p0 s1  }
0x13c: {  	[bflag:$0x3] =	sbarrier.arrive $0xFFFF  }
0x13d: {  	_ =	shalt  }

</sc_bundles>
